<compile_context>
chip_gen: v7x
topology: tpu7x:2x2x1
jax: 0.10.2.dev20260603
libtpu: 0.0.44.dev20260713+nightly
codegen_flags: <defaults>
</compile_context>

<pallas_src>
import functools

import jax
import jax.numpy as jnp
from jax import lax
from jax.experimental import pallas as pl
from jax.experimental.pallas import tpu as pltpu
from jax.experimental.pallas import tpu_sc as plsc

NE = 8
D = 1024
F = 1024
BS = 4096
NA = 2 * BS
G = 256
NB = (NA + NE * (G - 1) + G - 1) // G
PAD = NB * G

_LANES = 128

NW = 32


def _route_body(x_ref, wr_ref, idx_ref, w0_ref, w1_ref, be_ref, rank_ref):
    x = x_ref[...]
    wr = wr_ref[...]
    logits = jnp.dot(x, wr, preferred_element_type=jnp.float32)
    lane = lax.broadcasted_iota(jnp.int32, (BS, _LANES), 1)
    valid = lane < NE
    neg = jnp.float32(-1e30)
    ml = jnp.where(valid, logits, neg)

    m1 = jnp.max(ml, axis=1, keepdims=True)
    idx1 = jnp.min(jnp.where(ml == m1, lane, _LANES), axis=1, keepdims=True)
    oh0 = (lane == idx1).astype(jnp.float32)
    ml2 = jnp.where(lane == idx1, neg, ml)
    m2 = jnp.max(ml2, axis=1, keepdims=True)
    idx2 = jnp.min(jnp.where(ml2 == m2, lane, _LANES), axis=1, keepdims=True)
    oh1 = (lane == idx2).astype(jnp.float32)

    w0_ref[...] = jax.nn.sigmoid(m1 - m2)
    w1_ref[...] = jax.nn.sigmoid(m2 - m1)

    rank_ref[...] = oh0 + oh1
    tri = (lax.broadcasted_iota(jnp.int32, (128, 128), 0) >
           lax.broadcasted_iota(jnp.int32, (128, 128), 1)).astype(jnp.float32)

    def chunk(c, carry):
        ch = rank_ref[pl.ds(c * 128, 128), :]
        within = jnp.dot(tri, ch, preferred_element_type=jnp.float32)
        rank_ref[pl.ds(c * 128, 128), :] = within + carry
        return carry + jnp.sum(ch, axis=0, keepdims=True)

    counts = lax.fori_loop(0, BS // 128, chunk,
                           jnp.zeros((1, _LANES), jnp.float32))
    rank = rank_ref[...]

    pc = jnp.floor((counts + (G - 1)) * (1.0 / G)) * G
    upper = (lax.broadcasted_iota(jnp.int32, (128, 128), 0) <
             lax.broadcasted_iota(jnp.int32, (128, 128), 1)).astype(jnp.float32)
    seg = jnp.dot(pc, upper, preferred_element_type=jnp.float32)

    pos = seg + rank
    idx_ref[0:BS, :] = jnp.sum(pos * oh0, axis=1,
                               keepdims=True).astype(jnp.int32)
    idx_ref[BS:NA, :] = jnp.sum(pos * oh1, axis=1,
                                keepdims=True).astype(jnp.int32)

    bstart = (lax.broadcasted_iota(jnp.int32, (NB, _LANES), 0) * G
              ).astype(jnp.float32)
    lane_b = lax.broadcasted_iota(jnp.int32, (NB, _LANES), 1)
    ind = (bstart >= seg) & (bstart < seg + pc)
    be_ref[...] = jnp.sum(
        jnp.where(ind, lane_b, 0), axis=1, keepdims=True).astype(jnp.int32)


def _route_plan(flat, wr_pad):
    return pl.pallas_call(
        _route_body,
        out_shape=(
            jax.ShapeDtypeStruct((NA, 1), jnp.int32),
            jax.ShapeDtypeStruct((BS, 1), jnp.float32),
            jax.ShapeDtypeStruct((BS, 1), jnp.float32),
            jax.ShapeDtypeStruct((NB, 1), jnp.int32),
        ),
        scratch_shapes=[pltpu.VMEM((BS, _LANES), jnp.float32)],
        compiler_params=pltpu.CompilerParams(
            vmem_limit_bytes=64 * 1024 * 1024),
    )(flat, wr_pad)


def _sc_scatter_rows(flat, idx):
    bpw = NA // NW
    ch = 64

    @functools.partial(
        pl.kernel,
        mesh=plsc.VectorSubcoreMesh(core_axis_name="c", subcore_axis_name="s"),
        out_type=jax.ShapeDtypeStruct((PAD, D), jnp.float32),
        scratch_types=[
            pltpu.VMEM((ch,), jnp.int32),
            pltpu.VMEM((ch, D), jnp.float32),
            pltpu.SemaphoreType.DMA,
        ],
    )
    def k(x_hbm, idx_hbm, xs_hbm, idx_v, rows_v, sem):
        wid = lax.axis_index("s") * 2 + lax.axis_index("c")
        base = wid * bpw

        @pl.loop(0, bpw // ch)
        def _(ci):
            off = base + ci * ch
            xoff = lax.rem(off, BS)
            pltpu.sync_copy(idx_hbm.at[pl.ds(off, ch)], idx_v)
            pltpu.sync_copy(x_hbm.at[pl.ds(xoff, ch)], rows_v)
            pltpu.async_copy(rows_v, xs_hbm.at[idx_v], sem).wait()

    return k(flat, idx)


def _grouped_body(be_ref, xs_ref, wg_ref, wu_ref, wd_ref, ys_ref):
    xb = xs_ref[...]
    g = jnp.dot(xb, wg_ref[0], preferred_element_type=jnp.float32)
    u = jnp.dot(xb, wu_ref[0], preferred_element_type=jnp.float32)
    h = g * jax.nn.sigmoid(g) * u
    ys_ref[...] = jnp.dot(h, wd_ref[0], preferred_element_type=jnp.float32)


def _grouped_mlp(be, xs, wg, wu, wd):
    grid_spec = pltpu.PrefetchScalarGridSpec(
        num_scalar_prefetch=1,
        grid=(NB,),
        in_specs=[
            pl.BlockSpec((G, D), lambda i, be: (i, 0)),
            pl.BlockSpec((1, D, F), lambda i, be: (be[i], 0, 0)),
            pl.BlockSpec((1, D, F), lambda i, be: (be[i], 0, 0)),
            pl.BlockSpec((1, F, D), lambda i, be: (be[i], 0, 0)),
        ],
        out_specs=pl.BlockSpec((G, D), lambda i, be: (i, 0)),
    )
    return pl.pallas_call(
        _grouped_body,
        grid_spec=grid_spec,
        out_shape=jax.ShapeDtypeStruct((PAD, D), jnp.float32),
        compiler_params=pltpu.CompilerParams(
            dimension_semantics=("arbitrary",)),
    )(be, xs, wg, wu, wd)


def _sc_gather_rows(ys, idx):
    bpw = NA // NW
    ch = 64

    @functools.partial(
        pl.kernel,
        mesh=plsc.VectorSubcoreMesh(core_axis_name="c", subcore_axis_name="s"),
        out_type=jax.ShapeDtypeStruct((NA, D), jnp.float32),
        scratch_types=[
            pltpu.VMEM((ch,), jnp.int32),
            pltpu.VMEM((ch, D), jnp.float32),
            pltpu.SemaphoreType.DMA,
        ],
    )
    def k(ys_hbm, idx_hbm, g_hbm, idx_v, rows_v, sem):
        wid = lax.axis_index("s") * 2 + lax.axis_index("c")
        base = wid * bpw

        @pl.loop(0, bpw // ch)
        def _(ci):
            off = base + ci * ch
            pltpu.sync_copy(idx_hbm.at[pl.ds(off, ch)], idx_v)
            pltpu.async_copy(ys_hbm.at[idx_v], rows_v, sem).wait()
            pltpu.sync_copy(rows_v, g_hbm.at[pl.ds(off, ch)])

    return k(ys, idx)


def _combine_body(g0_ref, g1_ref, w0_ref, w1_ref, out_ref):
    out_ref[...] = w0_ref[...] * g0_ref[...] + w1_ref[...] * g1_ref[...]


_RB = 512


def _combine(g, w0, w1):
    nblk = BS // _RB
    return pl.pallas_call(
        _combine_body,
        grid=(nblk,),
        in_specs=[
            pl.BlockSpec((_RB, D), lambda i: (i, 0)),
            pl.BlockSpec((_RB, D), lambda i: (i + nblk, 0)),
            pl.BlockSpec((_RB, 1), lambda i: (i, 0)),
            pl.BlockSpec((_RB, 1), lambda i: (i, 0)),
        ],
        out_specs=pl.BlockSpec((_RB, D), lambda i: (i, 0)),
        out_shape=jax.ShapeDtypeStruct((BS, D), jnp.float32),
    )(g, g, w0, w1)


def kernel(hidden_states, W_router, W_gate, W_up, W_down):
    B, S, H = hidden_states.shape
    flat = hidden_states.reshape(BS, D)
    wr_pad = jnp.pad(W_router, ((0, 0), (0, _LANES - NE)))

    idx, w0, w1, be = _route_plan(flat, wr_pad)
    idx = idx.reshape(NA)

    xs = _sc_scatter_rows(flat, idx)
    ys = _grouped_mlp(be.reshape(NB), xs, W_gate, W_up, W_down)
    g = _sc_gather_rows(ys, idx)
    out = _combine(g, w0, w1)
    return out.reshape(B, S, H)

# --- scband reference (transcript-rebuilt; emitter-appended) ---
"""Pipeline reference for scband-qwen-moe-wrapper-replace-32461362823841 (READ-ONLY COPY).

The authoritative reference and input builder live on the scoring server;
editing this copy changes nothing except your own understanding.
"""

import jax, jax.numpy as jnp
import numpy as np

NUM_EXPERTS = 8
TOP_K = 2
D_MODEL = 1024
D_FF = 1024

def setup_inputs(seed: int = 0) -> dict:
    key = jax.random.key(seed)
    ks = jax.random.split(key, 5)
    hidden_states = jax.random.normal(ks[0], (2, 2048, D_MODEL), dtype=jnp.float32)
    W_router = jax.random.normal(ks[1], (D_MODEL, NUM_EXPERTS), dtype=jnp.float32) * 0.02
    W_gate = jax.random.normal(ks[2], (NUM_EXPERTS, D_MODEL, D_FF), dtype=jnp.float32) * 0.02
    W_up = jax.random.normal(ks[3], (NUM_EXPERTS, D_MODEL, D_FF), dtype=jnp.float32) * 0.02
    W_down = jax.random.normal(ks[4], (NUM_EXPERTS, D_FF, D_MODEL), dtype=jnp.float32) * 0.02
    return {"hidden_states": hidden_states, "W_router": W_router, "W_gate": W_gate, "W_up": W_up, "W_down": W_down}

def reference(hidden_states, W_router, W_gate, W_up, W_down):
    # Faithful translation of QwenMoeWrapperReplace.forward in its default state
    # (_has_modality == False, so the modality pre-filter branch is skipped).
    B, S, H = hidden_states.shape
    bs = B * S
    flat = hidden_states.reshape(bs, H)
    # router gate (nn.Linear without bias)
    router_logits = flat @ W_router  # [bs, E]
    routing_weights = jax.nn.softmax(router_logits, axis=-1)
    top_w, selected_experts = jax.lax.top_k(routing_weights, TOP_K)
    top_w = top_w / jnp.sum(top_w, axis=-1, keepdims=True)
    # final_logits_sparse = zeros.scatter_(1, selected_experts, routing_weights)
    rows = jnp.arange(bs)[:, None]
    final_logits_sparse = jnp.zeros_like(router_logits).at[rows, selected_experts].set(top_w)
    # experts: SwiGLU per expert, combined with sparse routing weights
    g = jnp.einsum('td,edf->tef', flat, W_gate)
    u = jnp.einsum('td,edf->tef', flat, W_up)
    h = jax.nn.silu(g) * u
    o = jnp.einsum('tef,efd->ted', h, W_down)
    out = jnp.einsum('te,ted->td', final_logits_sparse, o)
    return out.reshape(B, S, H)

if __name__ == "__main__":
    import jax
    _d = setup_inputs()
    print(jax.jit(kernel)(*tuple(_d.values())))

</pallas_src>

<mosaic_0001>
#map = affine_map<(d0, d1) -> (0, 0)>
#map1 = affine_map<(d0, d1) -> (0)>
module attributes {stable_mosaic.version = 14 : i64} {
  func.func @k(%arg0: i32, %arg1: i32, %arg2: memref<4096x1024xf32, #tpu.memory_space<hbm>>, %arg3: memref<8192xi32, #tpu.memory_space<hbm>>, %arg4: memref<10240x1024xf32, #tpu.memory_space<hbm>>, %arg5: memref<64xi32, #tpu.memory_space<vmem>>, %arg6: memref<64x1024xf32, #tpu.memory_space<vmem>>, %arg7: memref<!tpu.dma_semaphore, #tpu.memory_space<semaphore_mem>>) attributes {dimension_semantics = [#tpu.dimension_semantics<core_parallel>, #tpu.dimension_semantics<subcore_parallel>], iteration_bounds = array<i64: 2, 16>, scalar_prefetch = 0 : i64, scratch_operands = 3 : i64, tpu.core_type = #tpu.core_type<sc_vector_subcore>, window_params = [{transform_indices = #map}, {transform_indices = #map1}, {transform_indices = #map}]} {
    %mul3A = arith.constant 2 : i32
    %mul3A_0 = arith.muli %arg1, %mul3A : i32
    %add3A = arith.addi %mul3A_0, %arg0 : i32
    %mul3A_1 = arith.constant 256 : i32
    %mul3A_2 = arith.muli %add3A, %mul3A_1 : i32
    %scan3A = arith.constant 0 : i32
    %scan3A_3 = arith.constant 4 : i32
    %scan3A_4 = arith.addi %scan3A, %scan3A_3 : i32
    %scan3A_5 = arith.constant 1 : i32
    scf.for %scan3A_7 = %scan3A to %scan3A_4 step %scan3A_5  : i32 {
      %mul3A_8 = arith.constant 1 : i32
      %mul3A_9 = arith.muli %scan3A_7, %mul3A_8 : i32
      %add3A_10 = arith.constant 0 : i32
      %add3A_11 = arith.addi %add3A_10, %mul3A_9 : i32
      %mul3A_12 = arith.constant 64 : i32
      %mul3A_13 = arith.muli %add3A_11, %mul3A_12 : i32
      %add3A_14 = arith.addi %mul3A_2, %mul3A_13 : i32
      %rem3A = arith.constant 4096 : i32
      %rem3A_15 = arith.remsi %add3A_14, %rem3A : i32
      "tpu.region"() ({
        %run_scoped3A = tpu.sem_alloc : memref<!tpu.dma_semaphore, #tpu.memory_space<semaphore_mem>>
        %dma_start3A_20 = tpu.memref_slice %arg3[%add3A_14] : memref<8192xi32, #tpu.memory_space<hbm>> -> memref<64xi32, #tpu.memory_space<hbm>>
        %dma_start3A_21 = tpu.memref_slice %arg3[%add3A_14] : memref<8192xi32, #tpu.memory_space<hbm>> -> memref<64xi32, #tpu.memory_space<hbm>>
        tpu.enqueue_dma source(%dma_start3A_21 : memref<64xi32, #tpu.memory_space<hbm>>) target(%arg5 : memref<64xi32, #tpu.memory_space<vmem>>) target_semaphore(%run_scoped3A : memref<!tpu.dma_semaphore, #tpu.memory_space<semaphore_mem>>)
        %dma_wait3A_22 = tpu.memref_slice %arg3[%add3A_14] : memref<8192xi32, #tpu.memory_space<hbm>> -> memref<64xi32, #tpu.memory_space<hbm>>
        %dma_wait3A_23 = tpu.memref_slice %arg3[%add3A_14] : memref<8192xi32, #tpu.memory_space<hbm>> -> memref<64xi32, #tpu.memory_space<hbm>>
        tpu.wait_dma2 semaphore(%run_scoped3A : memref<!tpu.dma_semaphore, #tpu.memory_space<semaphore_mem>>) src(%dma_wait3A_23 : memref<64xi32, #tpu.memory_space<hbm>>) dst(%arg5 : memref<64xi32, #tpu.memory_space<vmem>>)
        tpu.yield
      }) : () -> ()
      "tpu.region"() ({
        %run_scoped3A = tpu.sem_alloc : memref<!tpu.dma_semaphore, #tpu.memory_space<semaphore_mem>>
        %dma_start3A_20 = arith.constant 0 : i32
        %dma_start3A_21 = tpu.memref_slice %arg2[%rem3A_15, %dma_start3A_20] : memref<4096x1024xf32, #tpu.memory_space<hbm>> -> memref<64x1024xf32, #tpu.memory_space<hbm>>
        %dma_start3A_22 = arith.constant 0 : i32
        %dma_start3A_23 = tpu.memref_slice %arg2[%rem3A_15, %dma_start3A_22] : memref<4096x1024xf32, #tpu.memory_space<hbm>> -> memref<64x1024xf32, #tpu.memory_space<hbm>>
        tpu.enqueue_dma source(%dma_start3A_23 : memref<64x1024xf32, #tpu.memory_space<hbm>>) target(%arg6 : memref<64x1024xf32, #tpu.memory_space<vmem>>) target_semaphore(%run_scoped3A : memref<!tpu.dma_semaphore, #tpu.memory_space<semaphore_mem>>)
        %dma_wait3A_24 = arith.constant 0 : i32
        %dma_wait3A_25 = tpu.memref_slice %arg2[%rem3A_15, %dma_wait3A_24] : memref<4096x1024xf32, #tpu.memory_space<hbm>> -> memref<64x1024xf32, #tpu.memory_space<hbm>>
        %dma_wait3A_26 = arith.constant 0 : i32
        %dma_wait3A_27 = tpu.memref_slice %arg2[%rem3A_15, %dma_wait3A_26] : memref<4096x1024xf32, #tpu.memory_space<hbm>> -> memref<64x1024xf32, #tpu.memory_space<hbm>>
        tpu.wait_dma2 semaphore(%run_scoped3A : memref<!tpu.dma_semaphore, #tpu.memory_space<semaphore_mem>>) src(%dma_wait3A_27 : memref<64x1024xf32, #tpu.memory_space<hbm>>) dst(%arg6 : memref<64x1024xf32, #tpu.memory_space<vmem>>)
        tpu.yield
      }) : () -> ()
      %dma_start3A = arith.constant 0 : i32
      %dma_start3A_16 = arith.constant 0 : i32
      %dma_start3A_17 = tpu.memref_slice %arg4[%dma_start3A, %dma_start3A_16] : memref<10240x1024xf32, #tpu.memory_space<hbm>> -> memref<10240x1024xf32, #tpu.memory_space<hbm>>
      tpu.enqueue_indirect_dma source(%arg6 : memref<64x1024xf32, #tpu.memory_space<vmem>>) target(%dma_start3A_17 : memref<10240x1024xf32, #tpu.memory_space<hbm>>) offsets(%arg5 : memref<64xi32, #tpu.memory_space<vmem>>) semaphore(%arg7 : memref<!tpu.dma_semaphore, #tpu.memory_space<semaphore_mem>>)
      %dma_wait3A = arith.constant 0 : i32
      %dma_wait3A_18 = arith.constant 0 : i32
      %dma_wait3A_19 = tpu.memref_slice %arg4[%dma_wait3A, %dma_wait3A_18] : memref<10240x1024xf32, #tpu.memory_space<hbm>> -> memref<10240x1024xf32, #tpu.memory_space<hbm>>
      tpu.wait_indirect_dma semaphore(%arg7 : memref<!tpu.dma_semaphore, #tpu.memory_space<semaphore_mem>>) src(%arg6 : memref<64x1024xf32, #tpu.memory_space<vmem>>) dst(%dma_wait3A_19 : memref<10240x1024xf32, #tpu.memory_space<hbm>>)
    }
    %scan3A_6 = arith.constant 4 : i32
    return
  }
}

#map = affine_map<(d0, d1) -> (0, 0)>
#map1 = affine_map<(d0, d1) -> (0)>
module attributes {stable_mosaic.version = 14 : i64} {
  func.func @k(%arg0: i32, %arg1: i32, %arg2: memref<10240x1024xf32, #tpu.memory_space<hbm>>, %arg3: memref<8192xi32, #tpu.memory_space<hbm>>, %arg4: memref<8192x1024xf32, #tpu.memory_space<hbm>>, %arg5: memref<64xi32, #tpu.memory_space<vmem>>, %arg6: memref<64x1024xf32, #tpu.memory_space<vmem>>, %arg7: memref<!tpu.dma_semaphore, #tpu.memory_space<semaphore_mem>>) attributes {dimension_semantics = [#tpu.dimension_semantics<core_parallel>, #tpu.dimension_semantics<subcore_parallel>], iteration_bounds = array<i64: 2, 16>, scalar_prefetch = 0 : i64, scratch_operands = 3 : i64, tpu.core_type = #tpu.core_type<sc_vector_subcore>, window_params = [{transform_indices = #map}, {transform_indices = #map1}, {transform_indices = #map}]} {
    %mul3A = arith.constant 2 : i32
    %mul3A_0 = arith.muli %arg1, %mul3A : i32
    %add3A = arith.addi %mul3A_0, %arg0 : i32
    %mul3A_1 = arith.constant 256 : i32
    %mul3A_2 = arith.muli %add3A, %mul3A_1 : i32
    %scan3A = arith.constant 0 : i32
    %scan3A_3 = arith.constant 4 : i32
    %scan3A_4 = arith.addi %scan3A, %scan3A_3 : i32
    %scan3A_5 = arith.constant 1 : i32
    scf.for %scan3A_7 = %scan3A to %scan3A_4 step %scan3A_5  : i32 {
      %mul3A_8 = arith.constant 1 : i32
      %mul3A_9 = arith.muli %scan3A_7, %mul3A_8 : i32
      %add3A_10 = arith.constant 0 : i32
      %add3A_11 = arith.addi %add3A_10, %mul3A_9 : i32
      %mul3A_12 = arith.constant 64 : i32
      %mul3A_13 = arith.muli %add3A_11, %mul3A_12 : i32
      %add3A_14 = arith.addi %mul3A_2, %mul3A_13 : i32
      "tpu.region"() ({
        %run_scoped3A = tpu.sem_alloc : memref<!tpu.dma_semaphore, #tpu.memory_space<semaphore_mem>>
        %dma_start3A_19 = tpu.memref_slice %arg3[%add3A_14] : memref<8192xi32, #tpu.memory_space<hbm>> -> memref<64xi32, #tpu.memory_space<hbm>>
        %dma_start3A_20 = tpu.memref_slice %arg3[%add3A_14] : memref<8192xi32, #tpu.memory_space<hbm>> -> memref<64xi32, #tpu.memory_space<hbm>>
        tpu.enqueue_dma source(%dma_start3A_20 : memref<64xi32, #tpu.memory_space<hbm>>) target(%arg5 : memref<64xi32, #tpu.memory_space<vmem>>) target_semaphore(%run_scoped3A : memref<!tpu.dma_semaphore, #tpu.memory_space<semaphore_mem>>)
        %dma_wait3A_21 = tpu.memref_slice %arg3[%add3A_14] : memref<8192xi32, #tpu.memory_space<hbm>> -> memref<64xi32, #tpu.memory_space<hbm>>
        %dma_wait3A_22 = tpu.memref_slice %arg3[%add3A_14] : memref<8192xi32, #tpu.memory_space<hbm>> -> memref<64xi32, #tpu.memory_space<hbm>>
        tpu.wait_dma2 semaphore(%run_scoped3A : memref<!tpu.dma_semaphore, #tpu.memory_space<semaphore_mem>>) src(%dma_wait3A_22 : memref<64xi32, #tpu.memory_space<hbm>>) dst(%arg5 : memref<64xi32, #tpu.memory_space<vmem>>)
        tpu.yield
      }) : () -> ()
      %dma_start3A = arith.constant 0 : i32
      %dma_start3A_15 = arith.constant 0 : i32
      %dma_start3A_16 = tpu.memref_slice %arg2[%dma_start3A, %dma_start3A_15] : memref<10240x1024xf32, #tpu.memory_space<hbm>> -> memref<10240x1024xf32, #tpu.memory_space<hbm>>
      tpu.enqueue_indirect_dma source(%dma_start3A_16 : memref<10240x1024xf32, #tpu.memory_space<hbm>>) target(%arg6 : memref<64x1024xf32, #tpu.memory_space<vmem>>) offsets(%arg5 : memref<64xi32, #tpu.memory_space<vmem>>) semaphore(%arg7 : memref<!tpu.dma_semaphore, #tpu.memory_space<semaphore_mem>>)
      %dma_wait3A = arith.constant 0 : i32
      %dma_wait3A_17 = arith.constant 0 : i32
      %dma_wait3A_18 = tpu.memref_slice %arg2[%dma_wait3A, %dma_wait3A_17] : memref<10240x1024xf32, #tpu.memory_space<hbm>> -> memref<10240x1024xf32, #tpu.memory_space<hbm>>
      tpu.wait_indirect_dma semaphore(%arg7 : memref<!tpu.dma_semaphore, #tpu.memory_space<semaphore_mem>>) src(%dma_wait3A_18 : memref<10240x1024xf32, #tpu.memory_space<hbm>>) dst(%arg6 : memref<64x1024xf32, #tpu.memory_space<vmem>>)
      "tpu.region"() ({
        %run_scoped3A = tpu.sem_alloc : memref<!tpu.dma_semaphore, #tpu.memory_space<semaphore_mem>>
        %dma_start3A_19 = arith.constant 0 : i32
        %dma_start3A_20 = tpu.memref_slice %arg4[%add3A_14, %dma_start3A_19] : memref<8192x1024xf32, #tpu.memory_space<hbm>> -> memref<64x1024xf32, #tpu.memory_space<hbm>>
        %dma_start3A_21 = arith.constant 0 : i32
        %dma_start3A_22 = tpu.memref_slice %arg4[%add3A_14, %dma_start3A_21] : memref<8192x1024xf32, #tpu.memory_space<hbm>> -> memref<64x1024xf32, #tpu.memory_space<hbm>>
        tpu.enqueue_dma source(%arg6 : memref<64x1024xf32, #tpu.memory_space<vmem>>) target(%dma_start3A_22 : memref<64x1024xf32, #tpu.memory_space<hbm>>) target_semaphore(%run_scoped3A : memref<!tpu.dma_semaphore, #tpu.memory_space<semaphore_mem>>)
        %dma_wait3A_23 = arith.constant 0 : i32
        %dma_wait3A_24 = tpu.memref_slice %arg4[%add3A_14, %dma_wait3A_23] : memref<8192x1024xf32, #tpu.memory_space<hbm>> -> memref<64x1024xf32, #tpu.memory_space<hbm>>
        %dma_wait3A_25 = arith.constant 0 : i32
        %dma_wait3A_26 = tpu.memref_slice %arg4[%add3A_14, %dma_wait3A_25] : memref<8192x1024xf32, #tpu.memory_space<hbm>> -> memref<64x1024xf32, #tpu.memory_space<hbm>>
        tpu.wait_dma2 semaphore(%run_scoped3A : memref<!tpu.dma_semaphore, #tpu.memory_space<semaphore_mem>>) src(%arg6 : memref<64x1024xf32, #tpu.memory_space<vmem>>) dst(%dma_wait3A_26 : memref<64x1024xf32, #tpu.memory_space<hbm>>)
        tpu.yield
      }) : () -> ()
    }
    %scan3A_6 = arith.constant 4 : i32
    return
  }
}

module attributes {stable_mosaic.version = 14 : i64} {
  func.func @_route_body(%arg0: memref<4096x1024xf32, #tpu.memory_space<vmem>>, %arg1: memref<1024x128xf32, #tpu.memory_space<vmem>>, %arg2: memref<8192x1xi32, #tpu.memory_space<vmem>>, %arg3: memref<4096x1xf32, #tpu.memory_space<vmem>>, %arg4: memref<4096x1xf32, #tpu.memory_space<vmem>>, %arg5: memref<40x1xi32, #tpu.memory_space<vmem>>, %arg6: memref<4096x128xf32, #tpu.memory_space<vmem>>) attributes {dimension_semantics = [], scalar_prefetch = 0 : i64, scratch_operands = 1 : i64, tpu.core_type = #tpu.core_type<tc>} {
    %get3A = arith.constant 0 : index
    %get3A_0 = arith.constant 0 : index
    %get3A_1 = vector.load %arg0[%get3A, %get3A_0] : memref<4096x1024xf32, #tpu.memory_space<vmem>>, vector<4096x1024xf32>
    %get3A_2 = arith.constant 0 : index
    %get3A_3 = arith.constant 0 : index
    %get3A_4 = vector.load %arg1[%get3A_2, %get3A_3] : memref<1024x128xf32, #tpu.memory_space<vmem>>, vector<1024x128xf32>
    %dot_general3A = arith.constant dense<0.000000e+00> : vector<4096x128xf32>
    %dot_general3A_5 = tpu.matmul %get3A_1, %get3A_4, %dot_general3A {dimension_numbers = #tpu.dot_dimension_numbers<[1], [0], [0], [1], [0, 0, 1, 1], [], []>, transpose_lhs_hint = false} : vector<4096x1024xf32>, vector<1024x128xf32>, vector<4096x128xf32> -> vector<4096x128xf32>
    %iota3A = tpu.iota {dimensions = array<i32: 1>} : vector<4096x128xi32>
    %lt3A = arith.constant 8 : i32
    %lt3A_6 = vector.broadcast %lt3A : i32 to vector<4096x128xi32>
    %lt3A_7 = arith.cmpi slt, %iota3A, %lt3A_6 : vector<4096x128xi32>
    %jit3A = arith.constant -1.000000e+30 : f32
    %broadcast_in_dim3A = vector.broadcast %jit3A : f32 to vector<4096x128xf32>
    %select_n3A = arith.select %lt3A_7, %dot_general3A_5, %broadcast_in_dim3A : vector<4096x128xi1>, vector<4096x128xf32>
    %reduce_max3A = arith.constant dense<0xFF800000> : vector<4096xf32>
    %reduce_max3A_8 = vector.multi_reduction <maximumf>, %select_n3A, %reduce_max3A [1] : vector<4096x128xf32> to vector<4096xf32>
    %broadcast_in_dim3A_9 = vector.shape_cast %reduce_max3A_8 : vector<4096xf32> to vector<4096x1xf32>
    %eq3A = vector.broadcast %broadcast_in_dim3A_9 : vector<4096x1xf32> to vector<4096x128xf32>
    %eq3A_10 = arith.cmpf oeq, %select_n3A, %eq3A : vector<4096x128xf32>
    %jit3A_11 = arith.constant 128 : i32
    %broadcast_in_dim3A_12 = vector.broadcast %jit3A_11 : i32 to vector<4096x128xi32>
    %select_n3A_13 = arith.select %eq3A_10, %iota3A, %broadcast_in_dim3A_12 : vector<4096x128xi1>, vector<4096x128xi32>
    %reduce_min3A = arith.constant dense<2147483647> : vector<4096xi32>
    %reduce_min3A_14 = vector.multi_reduction <minsi>, %select_n3A_13, %reduce_min3A [1] : vector<4096x128xi32> to vector<4096xi32>
    %broadcast_in_dim3A_15 = vector.shape_cast %reduce_min3A_14 : vector<4096xi32> to vector<4096x1xi32>
    %eq3A_16 = vector.broadcast %broadcast_in_dim3A_15 : vector<4096x1xi32> to vector<4096x128xi32>
    %eq3A_17 = arith.cmpi eq, %iota3A, %eq3A_16 : vector<4096x128xi32>
    %convert_element_type3A = arith.extui %eq3A_17 : vector<4096x128xi1> to vector<4096x128xi32>
    %convert_element_type3A_18 = arith.sitofp %convert_element_type3A : vector<4096x128xi32> to vector<4096x128xf32>
    %eq3A_19 = vector.broadcast %broadcast_in_dim3A_15 : vector<4096x1xi32> to vector<4096x128xi32>
    %eq3A_20 = arith.cmpi eq, %iota3A, %eq3A_19 : vector<4096x128xi32>
    %jit3A_21 = arith.constant -1.000000e+30 : f32
    %broadcast_in_dim3A_22 = vector.broadcast %jit3A_21 : f32 to vector<4096x128xf32>
    %select_n3A_23 = arith.select %eq3A_20, %broadcast_in_dim3A_22, %select_n3A : vector<4096x128xi1>, vector<4096x128xf32>
    %reduce_max3A_24 = arith.constant dense<0xFF800000> : vector<4096xf32>
    %reduce_max3A_25 = vector.multi_reduction <maximumf>, %select_n3A_23, %reduce_max3A_24 [1] : vector<4096x128xf32> to vector<4096xf32>
    %broadcast_in_dim3A_26 = vector.shape_cast %reduce_max3A_25 : vector<4096xf32> to vector<4096x1xf32>
    %eq3A_27 = vector.broadcast %broadcast_in_dim3A_26 : vector<4096x1xf32> to vector<4096x128xf32>
    %eq3A_28 = arith.cmpf oeq, %select_n3A_23, %eq3A_27 : vector<4096x128xf32>
    %jit3A_29 = arith.constant 128 : i32
    %broadcast_in_dim3A_30 = vector.broadcast %jit3A_29 : i32 to vector<4096x128xi32>
    %select_n3A_31 = arith.select %eq3A_28, %iota3A, %broadcast_in_dim3A_30 : vector<4096x128xi1>, vector<4096x128xi32>
    %reduce_min3A_32 = arith.constant dense<2147483647> : vector<4096xi32>
    %reduce_min3A_33 = vector.multi_reduction <minsi>, %select_n3A_31, %reduce_min3A_32 [1] : vector<4096x128xi32> to vector<4096xi32>
    %broadcast_in_dim3A_34 = vector.shape_cast %reduce_min3A_33 : vector<4096xi32> to vector<4096x1xi32>
    %eq3A_35 = vector.broadcast %broadcast_in_dim3A_34 : vector<4096x1xi32> to vector<4096x128xi32>
    %eq3A_36 = arith.cmpi eq, %iota3A, %eq3A_35 : vector<4096x128xi32>
    %convert_element_type3A_37 = arith.extui %eq3A_36 : vector<4096x128xi1> to vector<4096x128xi32>
    %convert_element_type3A_38 = arith.sitofp %convert_element_type3A_37 : vector<4096x128xi32> to vector<4096x128xf32>
    %sub3A = arith.subf %broadcast_in_dim3A_9, %broadcast_in_dim3A_26 : vector<4096x1xf32>
    %logistic3A = arith.negf %sub3A : vector<4096x1xf32>
    %logistic3A_39 = math.exp %logistic3A : vector<4096x1xf32>
    %logistic3A_40 = arith.constant 1.000000e+00 : f32
    %logistic3A_41 = vector.broadcast %logistic3A_40 : f32 to vector<4096x1xf32>
    %logistic3A_42 = arith.addf %logistic3A_41, %logistic3A_39 : vector<4096x1xf32>
    %logistic3A_43 = arith.divf %logistic3A_41, %logistic3A_42 : vector<4096x1xf32>
    %swap3A = arith.constant 0 : index
    %swap3A_44 = arith.constant 0 : index
    %swap3A_45 = vector.load %arg3[%swap3A, %swap3A_44] : memref<4096x1xf32, #tpu.memory_space<vmem>>, vector<4096x1xf32>
    tpu.vector_store %arg3[%swap3A, %swap3A_44], %logistic3A_43 {strides = array<i32>} : memref<4096x1xf32, #tpu.memory_space<vmem>>, vector<4096x1xf32>,
    %sub3A_46 = arith.subf %broadcast_in_dim3A_26, %broadcast_in_dim3A_9 : vector<4096x1xf32>
    %logistic3A_47 = arith.negf %sub3A_46 : vector<4096x1xf32>
    %logistic3A_48 = math.exp %logistic3A_47 : vector<4096x1xf32>
    %logistic3A_49 = arith.constant 1.000000e+00 : f32
    %logistic3A_50 = vector.broadcast %logistic3A_49 : f32 to vector<4096x1xf32>
    %logistic3A_51 = arith.addf %logistic3A_50, %logistic3A_48 : vector<4096x1xf32>
    %logistic3A_52 = arith.divf %logistic3A_50, %logistic3A_51 : vector<4096x1xf32>
    %swap3A_53 = arith.constant 0 : index
    %swap3A_54 = arith.constant 0 : index
    %swap3A_55 = vector.load %arg4[%swap3A_53, %swap3A_54] : memref<4096x1xf32, #tpu.memory_space<vmem>>, vector<4096x1xf32>
    tpu.vector_store %arg4[%swap3A_53, %swap3A_54], %logistic3A_52 {strides = array<i32>} : memref<4096x1xf32, #tpu.memory_space<vmem>>, vector<4096x1xf32>,
    %add3A = arith.addf %convert_element_type3A_18, %convert_element_type3A_38 : vector<4096x128xf32>
    %swap3A_56 = arith.constant 0 : index
    %swap3A_57 = arith.constant 0 : index
    %swap3A_58 = vector.load %arg6[%swap3A_56, %swap3A_57] : memref<4096x128xf32, #tpu.memory_space<vmem>>, vector<4096x128xf32>
    tpu.vector_store %arg6[%swap3A_56, %swap3A_57], %add3A {strides = array<i32>} : memref<4096x128xf32, #tpu.memory_space<vmem>>, vector<4096x128xf32>,
    %iota3A_59 = tpu.iota {dimensions = array<i32: 0>} : vector<128x128xi32>
    %iota3A_60 = tpu.iota {dimensions = array<i32: 1>} : vector<128x128xi32>
    %gt3A = arith.cmpi sgt, %iota3A_59, %iota3A_60 : vector<128x128xi32>
    %convert_element_type3A_61 = arith.extui %gt3A : vector<128x128xi1> to vector<128x128xi32>
    %convert_element_type3A_62 = arith.sitofp %convert_element_type3A_61 : vector<128x128xi32> to vector<128x128xf32>
    %broadcast_in_dim3A_63 = arith.constant 0.000000e+00 : f32
    %broadcast_in_dim3A_64 = vector.broadcast %broadcast_in_dim3A_63 : f32 to vector<1x128xf32>
    %scan3A = arith.constant 0 : i32
    %scan3A_65 = arith.constant 32 : i32
    %scan3A_66 = arith.addi %scan3A, %scan3A_65 : i32
    %scan3A_67 = arith.constant 1 : i32
    %scan3A_68 = scf.for %scan3A_124 = %scan3A to %scan3A_66 step %scan3A_67 iter_args(%scan3A_125 = %broadcast_in_dim3A_64) -> (vector<1x128xf32>)  : i32 {
      %mul3A_126 = arith.constant 128 : i32
      %mul3A_127 = arith.muli %scan3A_124, %mul3A_126 : i32
      %get3A_128 = arith.index_cast %mul3A_127 : i32 to index
      %get3A_129 = arith.constant 0 : index
      %get3A_130 = vector.load %arg6[%get3A_128, %get3A_129] : memref<4096x128xf32, #tpu.memory_space<vmem>>, vector<128x128xf32>
      %dot_general3A_131 = arith.constant dense<0.000000e+00> : vector<128x128xf32>
      %dot_general3A_132 = tpu.matmul %convert_element_type3A_62, %get3A_130, %dot_general3A_131 {dimension_numbers = #tpu.dot_dimension_numbers<[1], [0], [0], [1], [0, 0, 1, 1], [], []>, transpose_lhs_hint = false} : vector<128x128xf32>, vector<128x128xf32>, vector<128x128xf32> -> vector<128x128xf32>
      %add3A_133 = vector.broadcast %scan3A_125 : vector<1x128xf32> to vector<128x128xf32>
      %add3A_134 = arith.addf %dot_general3A_132, %add3A_133 : vector<128x128xf32>
      %mul3A_135 = arith.constant 128 : i32
      %mul3A_136 = arith.muli %scan3A_124, %mul3A_135 : i32
      %swap3A_137 = arith.index_cast %mul3A_136 : i32 to index
      %swap3A_138 = arith.constant 0 : index
      %swap3A_139 = vector.load %arg6[%swap3A_137, %swap3A_138] : memref<4096x128xf32, #tpu.memory_space<vmem>>, vector<128x128xf32>
      tpu.vector_store %arg6[%swap3A_137, %swap3A_138], %add3A_134 {strides = array<i32>} : memref<4096x128xf32, #tpu.memory_space<vmem>>, vector<128x128xf32>,
      %reduce_sum3A_140 = arith.constant dense<0.000000e+00> : vector<128xf32>
      %reduce_sum3A_141 = vector.multi_reduction <add>, %get3A_130, %reduce_sum3A_140 [0] : vector<128x128xf32> to vector<128xf32>
      %broadcast_in_dim3A_142 = vector.shape_cast %reduce_sum3A_141 : vector<128xf32> to vector<1x128xf32>
      %add3A_143 = arith.addf %scan3A_125, %broadcast_in_dim3A_142 : vector<1x128xf32>
      scf.yield %add3A_143 : vector<1x128xf32>
    }
    %scan3A_69 = arith.constant 32 : i32
    %get3A_70 = arith.constant 0 : index
    %get3A_71 = arith.constant 0 : index
    %get3A_72 = vector.load %arg6[%get3A_70, %get3A_71] : memref<4096x128xf32, #tpu.memory_space<vmem>>, vector<4096x128xf32>
    %add3A_73 = arith.constant 2.550000e+02 : f32
    %add3A_74 = vector.broadcast %add3A_73 : f32 to vector<1x128xf32>
    %add3A_75 = arith.addf %scan3A_68, %add3A_74 : vector<1x128xf32>
    %mul3A = arith.constant 3.906250e-03 : f32
    %mul3A_76 = vector.broadcast %mul3A : f32 to vector<1x128xf32>
    %mul3A_77 = arith.mulf %add3A_75, %mul3A_76 : vector<1x128xf32>
    %floor3A = math.floor %mul3A_77 : vector<1x128xf32>
    %mul3A_78 = arith.constant 2.560000e+02 : f32
    %mul3A_79 = vector.broadcast %mul3A_78 : f32 to vector<1x128xf32>
    %mul3A_80 = arith.mulf %floor3A, %mul3A_79 : vector<1x128xf32>
    %iota3A_81 = tpu.iota {dimensions = array<i32: 0>} : vector<128x128xi32>
    %iota3A_82 = tpu.iota {dimensions = array<i32: 1>} : vector<128x128xi32>
    %lt3A_83 = arith.cmpi slt, %iota3A_81, %iota3A_82 : vector<128x128xi32>
    %convert_element_type3A_84 = arith.extui %lt3A_83 : vector<128x128xi1> to vector<128x128xi32>
    %convert_element_type3A_85 = arith.sitofp %convert_element_type3A_84 : vector<128x128xi32> to vector<128x128xf32>
    %dot_general3A_86 = arith.constant dense<0.000000e+00> : vector<1x128xf32>
    %dot_general3A_87 = tpu.matmul %mul3A_80, %convert_element_type3A_85, %dot_general3A_86 {dimension_numbers = #tpu.dot_dimension_numbers<[1], [0], [0], [1], [0, 0, 1, 1], [], []>, transpose_lhs_hint = false} : vector<1x128xf32>, vector<128x128xf32>, vector<1x128xf32> -> vector<1x128xf32>
    %add3A_88 = vector.broadcast %dot_general3A_87 : vector<1x128xf32> to vector<4096x128xf32>
    %add3A_89 = arith.addf %add3A_88, %get3A_72 : vector<4096x128xf32>
    %mul3A_90 = arith.mulf %add3A_89, %convert_element_type3A_18 : vector<4096x128xf32>
    %reduce_sum3A = arith.constant dense<0.000000e+00> : vector<4096xf32>
    %reduce_sum3A_91 = vector.multi_reduction <add>, %mul3A_90, %reduce_sum3A [1] : vector<4096x128xf32> to vector<4096xf32>
    %broadcast_in_dim3A_92 = vector.shape_cast %reduce_sum3A_91 : vector<4096xf32> to vector<4096x1xf32>
    %convert_element_type3A_93 = arith.fptosi %broadcast_in_dim3A_92 : vector<4096x1xf32> to vector<4096x1xi32>
    %swap3A_94 = arith.constant 0 : index
    %swap3A_95 = arith.constant 0 : index
    %swap3A_96 = vector.load %arg2[%swap3A_94, %swap3A_95] : memref<8192x1xi32, #tpu.memory_space<vmem>>, vector<4096x1xi32>
    tpu.vector_store %arg2[%swap3A_94, %swap3A_95], %convert_element_type3A_93 {strides = array<i32>} : memref<8192x1xi32, #tpu.memory_space<vmem>>, vector<4096x1xi32>,
    %mul3A_97 = arith.mulf %add3A_89, %convert_element_type3A_38 : vector<4096x128xf32>
    %reduce_sum3A_98 = arith.constant dense<0.000000e+00> : vector<4096xf32>
    %reduce_sum3A_99 = vector.multi_reduction <add>, %mul3A_97, %reduce_sum3A_98 [1] : vector<4096x128xf32> to vector<4096xf32>
    %broadcast_in_dim3A_100 = vector.shape_cast %reduce_sum3A_99 : vector<4096xf32> to vector<4096x1xf32>
    %convert_element_type3A_101 = arith.fptosi %broadcast_in_dim3A_100 : vector<4096x1xf32> to vector<4096x1xi32>
    %swap3A_102 = arith.constant 4096 : index
    %swap3A_103 = arith.constant 0 : index
    %swap3A_104 = vector.load %arg2[%swap3A_102, %swap3A_103] : memref<8192x1xi32, #tpu.memory_space<vmem>>, vector<4096x1xi32>
    tpu.vector_store %arg2[%swap3A_102, %swap3A_103], %convert_element_type3A_101 {strides = array<i32>} : memref<8192x1xi32, #tpu.memory_space<vmem>>, vector<4096x1xi32>,
    %iota3A_105 = tpu.iota {dimensions = array<i32: 0>} : vector<40x128xi32>
    %mul3A_106 = arith.constant 256 : i32
    %mul3A_107 = vector.broadcast %mul3A_106 : i32 to vector<40x128xi32>
    %mul3A_108 = arith.muli %iota3A_105, %mul3A_107 : vector<40x128xi32>
    %convert_element_type3A_109 = arith.sitofp %mul3A_108 : vector<40x128xi32> to vector<40x128xf32>
    %iota3A_110 = tpu.iota {dimensions = array<i32: 1>} : vector<40x128xi32>
    %ge3A = vector.broadcast %dot_general3A_87 : vector<1x128xf32> to vector<40x128xf32>
    %ge3A_111 = arith.cmpf oge, %convert_element_type3A_109, %ge3A : vector<40x128xf32>
    %add3A_112 = arith.addf %dot_general3A_87, %mul3A_80 : vector<1x128xf32>
    %lt3A_113 = vector.broadcast %add3A_112 : vector<1x128xf32> to vector<40x128xf32>
    %lt3A_114 = arith.cmpf olt, %convert_element_type3A_109, %lt3A_113 : vector<40x128xf32>
    %and3A = arith.andi %ge3A_111, %lt3A_114 : vector<40x128xi1>
    %jit3A_115 = arith.constant 0 : i32
    %broadcast_in_dim3A_116 = vector.broadcast %jit3A_115 : i32 to vector<40x128xi32>
    %select_n3A_117 = arith.select %and3A, %iota3A_110, %broadcast_in_dim3A_116 : vector<40x128xi1>, vector<40x128xi32>
    %reduce_sum3A_118 = arith.constant dense<0> : vector<40xi32>
    %reduce_sum3A_119 = vector.multi_reduction <add>, %select_n3A_117, %reduce_sum3A_118 [1] : vector<40x128xi32> to vector<40xi32>
    %broadcast_in_dim3A_120 = vector.shape_cast %reduce_sum3A_119 : vector<40xi32> to vector<40x1xi32>
    %swap3A_121 = arith.constant 0 : index
    %swap3A_122 = arith.constant 0 : index
    %swap3A_123 = vector.load %arg5[%swap3A_121, %swap3A_122] : memref<40x1xi32, #tpu.memory_space<vmem>>, vector<40x1xi32>
    tpu.vector_store %arg5[%swap3A_121, %swap3A_122], %broadcast_in_dim3A_120 {strides = array<i32>} : memref<40x1xi32, #tpu.memory_space<vmem>>, vector<40x1xi32>,
    return
  }
}

module attributes {stable_mosaic.version = 14 : i64} {
  func.func @_combine_body(%arg0: i32, %arg1: memref<512x1024xf32, #tpu.memory_space<vmem>>, %arg2: memref<512x1024xf32, #tpu.memory_space<vmem>>, %arg3: memref<512x1xf32, #tpu.memory_space<vmem>>, %arg4: memref<512x1xf32, #tpu.memory_space<vmem>>, %arg5: memref<512x1024xf32, #tpu.memory_space<vmem>>) attributes {dimension_semantics = [#tpu.dimension_semantics<arbitrary>], iteration_bounds = array<i64: 8>, scalar_prefetch = 0 : i64, scratch_operands = 0 : i64, tpu.core_type = #tpu.core_type<tc>, window_params = [{transform_indices = @transform_0, window_bounds = array<i64: 512, 1024>}, {transform_indices = @transform_1, window_bounds = array<i64: 512, 1024>}, {transform_indices = @transform_2, window_bounds = array<i64: 512, 1>}, {transform_indices = @transform_3, window_bounds = array<i64: 512, 1>}, {transform_indices = @transform_4, window_bounds = array<i64: 512, 1024>}]} {
    %get3A = arith.constant 0 : index
    %get3A_0 = arith.constant 0 : index
    %get3A_1 = vector.load %arg3[%get3A, %get3A_0] : memref<512x1xf32, #tpu.memory_space<vmem>>, vector<512x1xf32>
    %get3A_2 = arith.constant 0 : index
    %get3A_3 = arith.constant 0 : index
    %get3A_4 = vector.load %arg1[%get3A_2, %get3A_3] : memref<512x1024xf32, #tpu.memory_space<vmem>>, vector<512x1024xf32>
    %mul3A = vector.broadcast %get3A_1 : vector<512x1xf32> to vector<512x1024xf32>
    %mul3A_5 = arith.mulf %mul3A, %get3A_4 : vector<512x1024xf32>
    %get3A_6 = arith.constant 0 : index
    %get3A_7 = arith.constant 0 : index
    %get3A_8 = vector.load %arg4[%get3A_6, %get3A_7] : memref<512x1xf32, #tpu.memory_space<vmem>>, vector<512x1xf32>
    %get3A_9 = arith.constant 0 : index
    %get3A_10 = arith.constant 0 : index
    %get3A_11 = vector.load %arg2[%get3A_9, %get3A_10] : memref<512x1024xf32, #tpu.memory_space<vmem>>, vector<512x1024xf32>
    %mul3A_12 = vector.broadcast %get3A_8 : vector<512x1xf32> to vector<512x1024xf32>
    %mul3A_13 = arith.mulf %mul3A_12, %get3A_11 : vector<512x1024xf32>
    %add3A = arith.addf %mul3A_5, %mul3A_13 : vector<512x1024xf32>
    %swap3A = arith.constant 0 : index
    %swap3A_14 = arith.constant 0 : index
    %swap3A_15 = vector.load %arg5[%swap3A, %swap3A_14] : memref<512x1024xf32, #tpu.memory_space<vmem>>, vector<512x1024xf32>
    tpu.vector_store %arg5[%swap3A, %swap3A_14], %add3A {strides = array<i32>} : memref<512x1024xf32, #tpu.memory_space<vmem>>, vector<512x1024xf32>,
    return
  }
  func.func @transform_0(%arg0: i32) -> (i32, i32) {
    %c0_i32 = arith.constant 0 : i32
    %c0_i32_0 = arith.constant 0 : i32
    return %arg0, %c0_i32 : i32, i32
  }
  func.func @transform_1(%arg0: i32) -> (i32, i32) {
    %add3A = arith.constant 8 : i32
    %add3A_0 = arith.addi %arg0, %add3A : i32
    %c0_i32 = arith.constant 0 : i32
    %c0_i32_1 = arith.constant 0 : i32
    return %add3A_0, %c0_i32 : i32, i32
  }
  func.func @transform_2(%arg0: i32) -> (i32, i32) {
    %c0_i32 = arith.constant 0 : i32
    %c0_i32_0 = arith.constant 0 : i32
    return %arg0, %c0_i32 : i32, i32
  }
  func.func @transform_3(%arg0: i32) -> (i32, i32) {
    %c0_i32 = arith.constant 0 : i32
    %c0_i32_0 = arith.constant 0 : i32
    return %arg0, %c0_i32 : i32, i32
  }
  func.func @transform_4(%arg0: i32) -> (i32, i32) {
    %c0_i32 = arith.constant 0 : i32
    %c0_i32_0 = arith.constant 0 : i32
    return %arg0, %c0_i32 : i32, i32
  }
}

module attributes {stable_mosaic.version = 14 : i64} {
  func.func @_grouped_body(%arg0: i32, %arg1: memref<40xi32, #tpu.memory_space<smem>>, %arg2: memref<256x1024xf32, #tpu.memory_space<vmem>>, %arg3: memref<1x1024x1024xf32, #tpu.memory_space<vmem>>, %arg4: memref<1x1024x1024xf32, #tpu.memory_space<vmem>>, %arg5: memref<1x1024x1024xf32, #tpu.memory_space<vmem>>, %arg6: memref<256x1024xf32, #tpu.memory_space<vmem>>) attributes {dimension_semantics = [#tpu.dimension_semantics<arbitrary>], iteration_bounds = array<i64: 40>, scalar_prefetch = 1 : i64, scratch_operands = 0 : i64, tpu.core_type = #tpu.core_type<tc>, window_params = [{transform_indices = @transform_0, window_bounds = array<i64: 256, 1024>}, {transform_indices = @transform_1, window_bounds = array<i64: 1, 1024, 1024>}, {transform_indices = @transform_2, window_bounds = array<i64: 1, 1024, 1024>}, {transform_indices = @transform_3, window_bounds = array<i64: 1, 1024, 1024>}, {transform_indices = @transform_4, window_bounds = array<i64: 256, 1024>}]} {
    %get3A = arith.constant 0 : index
    %get3A_0 = arith.constant 0 : index
    %get3A_1 = vector.load %arg2[%get3A, %get3A_0] : memref<256x1024xf32, #tpu.memory_space<vmem>>, vector<256x1024xf32>
    %get3A_2 = arith.constant 0 : index
    %get3A_3 = arith.constant 0 : index
    %get3A_4 = arith.constant 0 : index
    %get3A_5 = vector.load %arg3[%get3A_2, %get3A_3, %get3A_4] : memref<1x1024x1024xf32, #tpu.memory_space<vmem>>, vector<1x1024x1024xf32>
    %get3A_6 = vector.shape_cast %get3A_5 : vector<1x1024x1024xf32> to vector<1024x1024xf32>
    %dot_general3A = arith.constant dense<0.000000e+00> : vector<256x1024xf32>
    %dot_general3A_7 = tpu.matmul %get3A_1, %get3A_6, %dot_general3A {dimension_numbers = #tpu.dot_dimension_numbers<[1], [0], [0], [1], [0, 0, 1, 1], [], []>, transpose_lhs_hint = false} : vector<256x1024xf32>, vector<1024x1024xf32>, vector<256x1024xf32> -> vector<256x1024xf32>
    %get3A_8 = arith.constant 0 : index
    %get3A_9 = arith.constant 0 : index
    %get3A_10 = arith.constant 0 : index
    %get3A_11 = vector.load %arg4[%get3A_8, %get3A_9, %get3A_10] : memref<1x1024x1024xf32, #tpu.memory_space<vmem>>, vector<1x1024x1024xf32>
    %get3A_12 = vector.shape_cast %get3A_11 : vector<1x1024x1024xf32> to vector<1024x1024xf32>
    %dot_general3A_13 = arith.constant dense<0.000000e+00> : vector<256x1024xf32>
    %dot_general3A_14 = tpu.matmul %get3A_1, %get3A_12, %dot_general3A_13 {dimension_numbers = #tpu.dot_dimension_numbers<[1], [0], [0], [1], [0, 0, 1, 1], [], []>, transpose_lhs_hint = false} : vector<256x1024xf32>, vector<1024x1024xf32>, vector<256x1024xf32> -> vector<256x1024xf32>
    %logistic3A = arith.negf %dot_general3A_7 : vector<256x1024xf32>
    %logistic3A_15 = math.exp %logistic3A : vector<256x1024xf32>
    %logistic3A_16 = arith.constant 1.000000e+00 : f32
    %logistic3A_17 = vector.broadcast %logistic3A_16 : f32 to vector<256x1024xf32>
    %logistic3A_18 = arith.addf %logistic3A_17, %logistic3A_15 : vector<256x1024xf32>
    %logistic3A_19 = arith.divf %logistic3A_17, %logistic3A_18 : vector<256x1024xf32>
    %mul3A = arith.mulf %dot_general3A_7, %logistic3A_19 : vector<256x1024xf32>
    %mul3A_20 = arith.mulf %mul3A, %dot_general3A_14 : vector<256x1024xf32>
    %get3A_21 = arith.constant 0 : index
    %get3A_22 = arith.constant 0 : index
    %get3A_23 = arith.constant 0 : index
    %get3A_24 = vector.load %arg5[%get3A_21, %get3A_22, %get3A_23] : memref<1x1024x1024xf32, #tpu.memory_space<vmem>>, vector<1x1024x1024xf32>
    %get3A_25 = vector.shape_cast %get3A_24 : vector<1x1024x1024xf32> to vector<1024x1024xf32>
    %dot_general3A_26 = arith.constant dense<0.000000e+00> : vector<256x1024xf32>
    %dot_general3A_27 = tpu.matmul %mul3A_20, %get3A_25, %dot_general3A_26 {dimension_numbers = #tpu.dot_dimension_numbers<[1], [0], [0], [1], [0, 0, 1, 1], [], []>, transpose_lhs_hint = false} : vector<256x1024xf32>, vector<1024x1024xf32>, vector<256x1024xf32> -> vector<256x1024xf32>
    %swap3A = arith.constant 0 : index
    %swap3A_28 = arith.constant 0 : index
    %swap3A_29 = vector.load %arg6[%swap3A, %swap3A_28] : memref<256x1024xf32, #tpu.memory_space<vmem>>, vector<256x1024xf32>
    tpu.vector_store %arg6[%swap3A, %swap3A_28], %dot_general3A_27 {strides = array<i32>} : memref<256x1024xf32, #tpu.memory_space<vmem>>, vector<256x1024xf32>,
    return
  }
  func.func @transform_0(%arg0: i32, %arg1: memref<40xi32, #tpu.memory_space<smem>>) -> (i32, i32) {
    %c0_i32 = arith.constant 0 : i32
    %c0_i32_0 = arith.constant 0 : i32
    return %arg0, %c0_i32 : i32, i32
  }
  func.func @transform_1(%arg0: i32, %arg1: memref<40xi32, #tpu.memory_space<smem>>) -> (i32, i32, i32) {
    %get3A = arith.index_cast %arg0 : i32 to index
    %get3A_0 = memref.load %arg1[%get3A] : memref<40xi32, #tpu.memory_space<smem>>
    %c0_i32 = arith.constant 0 : i32
    %c0_i32_1 = arith.constant 0 : i32
    %c0_i32_2 = arith.constant 0 : i32
    return %get3A_0, %c0_i32, %c0_i32_1 : i32, i32, i32
  }
  func.func @transform_2(%arg0: i32, %arg1: memref<40xi32, #tpu.memory_space<smem>>) -> (i32, i32, i32) {
    %get3A = arith.index_cast %arg0 : i32 to index
    %get3A_0 = memref.load %arg1[%get3A] : memref<40xi32, #tpu.memory_space<smem>>
    %c0_i32 = arith.constant 0 : i32
    %c0_i32_1 = arith.constant 0 : i32
    %c0_i32_2 = arith.constant 0 : i32
    return %get3A_0, %c0_i32, %c0_i32_1 : i32, i32, i32
  }
  func.func @transform_3(%arg0: i32, %arg1: memref<40xi32, #tpu.memory_space<smem>>) -> (i32, i32, i32) {
    %get3A = arith.index_cast %arg0 : i32 to index
    %get3A_0 = memref.load %arg1[%get3A] : memref<40xi32, #tpu.memory_space<smem>>
    %c0_i32 = arith.constant 0 : i32
    %c0_i32_1 = arith.constant 0 : i32
    %c0_i32_2 = arith.constant 0 : i32
    return %get3A_0, %c0_i32, %c0_i32_1 : i32, i32, i32
  }
  func.func @transform_4(%arg0: i32, %arg1: memref<40xi32, #tpu.memory_space<smem>>) -> (i32, i32) {
    %c0_i32 = arith.constant 0 : i32
    %c0_i32_0 = arith.constant 0 : i32
    return %arg0, %c0_i32 : i32, i32
  }
}

</mosaic_0001>

<sc_bundles>
// kernel: kernel.10.cloned.1.call-start
scs
__scs_entry_jumppad:
0x0: {  	(pc) =	sbr.rel $0x88, $3  }
0x1: {  	(tag) =	ssettag $0x0;
	lr =	simm.s32 $0x1  }
0x2: {  	[smem:$0x3F9C] =	sst lr;
	_ =	strace $0xD0000000  }
0x3: {  	_ = 	snop  }
0x4: {  	_ = 	snop  }
0x5: {  	_ = 	snop  }
0x6: {  	_ = 	snop  }
0x7: {  	_ = 	snop  }
__scs_overlays_trampoline_lowered:
0x8: {  	[smem:$0x3FAB] =	sst s0  }
0x9: {  	[smem:$0x3FAC] =	sst s1  }
0xa: {  	[smem:$0x3FAD] =	sst s2  }
0xb: {  	[smem:$0x3FAE] =	sst s3  }
0xc: {  	[smem:$0x3FAF] =	sst s4  }
0xd: {  	[smem:$0x3FB0] =	sst s5  }
0xe: {  	[smem:$0x3FB1] =	sst s6  }
0xf: {  	[smem:$0x3FB2] =	sst s7  }
0x10: {  	[smem:$0x3FB3] =	sst s8  }
0x11: {  	[smem:$0x3FB4] =	sst s9;
	s0 =	simm.s32 @!p0 $0x0  }
0x12: {  	s1 =	sld [smem:$0x3F9A];
	s0 =	simm.s32 @p0 $0x1  }
0x13: {  	[smem:$0x3FB5] =	sst s0;
	s0 =	simm.s32 @!p1 $0x0  }
0x14: {  	s2 =	sld [smem:$0x3F99];
	s0 =	simm.s32 @p1 $0x1  }
0x15: {  	[smem:$0x3FB6] =	sst s0;
	s0 =	simm.s32 @!p2 $0x0  }
0x16: {  	s3 =	sld [smem:$0x3FDB];
	s0 =	simm.s32 @p2 $0x1  }
0x17: {  	s4 =	simm.s32 $0x1BF5;
	[smem:$0x3FB8] =	sst s0  }
0x18: {  	s0 =	sld [smem:$0x3F9B];
	_ =	swait.ge [sflag:s4], $0x0  }
0x19: {  	s7 =	sld [smem:$0x3F9C]  }
0x1a: {  	s8 =	sadd.s32 $0xFFFFE003, lr  }
0x1b: {  	s9 =	sadd.s32 $0xFFFFFEF7, lr;
	s5 =	simm.s32 $0xFFFFFFFF;
	p2 =	slt.u32 s8, $0xFFFFF086  }
0x1c: {  	p1 =	slt.u32 s9, $0xF7A;
	s5 =	simm.s32 @!p2 $0x0  }
0x1d: {  	s5 =	simm.s32 @p1 $0x1;
	p0 =	seq.s32 s7, s2  }
0x1e: {  	s7 =	smul.u32 @!p0 $0xF7A, s2;
	p2 =	seq.s32 @!p0 s5, $0x0  }
0x1f: {  	s9 =	smul.u32 $0xF7A, s1;
	s8 =	simm.s32 @!p0 $0x1BF5;
	p2 =	por !p2, p0  }
0x20: {  	[sflag:s8] =	ssyncset.s32 @!p0 $0xFFFFF086;
	s6 =	sadd.s32 @!p0 s3, s7;
	s7 =	simm.s32 @!p0 $0x108  }
0x21: {  	s3 =	sadd.s32 s3, s9;
	s6 =	sadd.s32 @!p0 $0x88, s6;
	s7 =	simm.s32 @p2 $0x1082  }
0x22: {  	[simem:s7], [sflag:s8] =	dma.local @!p0 [hbm:s6], $0xF7A  }
0x23: {  	s9 =	sor.u32 $0xD0000000, s2;
	s6 =	simm.s32 $0x108;
	_ =	swait.ge @!p0 [sflag:s8], $0x0  }
0x24: {  	s3 =	sadd.s32 $0x88, s3;
	s6 =	simm.s32 @!p1 $0x1082;
	[sflag:s4] =	ssyncset.s32 $0xFFFFF086  }
0x25: {  	[simem:s6], [sflag:s4] =	dma.local [hbm:s3], $0xF7A  }
0x26: {  	[smem:$0x3F9C] =	sst s1;
	(tag) =	ssettag s2;
	_ =	strace s9  }
0x27: {  	s1 =	sld [smem:$0x3FAC]  }
0x28: {  	s2 =	sld [smem:$0x3FAD]  }
0x29: {  	s4 =	sld [smem:$0x3FAF]  }
0x2a: {  	p0 =	seq.s32 s5, $0x0;
	s5 =	sld [smem:$0x3FB0]  }
0x2b: {  	s6 =	sld [smem:$0x3FB1]  }
0x2c: {  	s7 =	sld [smem:$0x3FB2]  }
0x2d: {  	s3 =	simm.s32 $0x108;
	s8 =	sld [smem:$0x3FB3]  }
0x2e: {  	s3 =	simm.s32 @!p0 $0x1082;
	s9 =	sld [smem:$0x3FB4]  }
0x2f: {  	lr =	sadd.s32 s0, s3;
	s0 =	sld [smem:$0x3FAB]  }
0x30: {  	s3 =	sld [smem:$0x3FAE]  }
0x31: {  	[smem:$0x3FB7] =	sst s10  }
0x32: {  	s10 =	sld [smem:$0x3FB5];
	_ =	sdelay $0x3  }
0x33: {  	p0 =	seq.s32 s10, $0x1;
	s10 =	sld [smem:$0x3FB7];
	_ =	sdelay $0x3  }
0x34: {  	[smem:$0x3FB7] =	sst s10  }
0x35: {  	s10 =	sld [smem:$0x3FB6];
	_ =	sdelay $0x3  }
0x36: {  	p1 =	seq.s32 s10, $0x1;
	s10 =	sld [smem:$0x3FB7];
	_ =	sdelay $0x3  }
0x37: {  	[smem:$0x3FB7] =	sst s10  }
0x38: {  	s10 =	sld [smem:$0x3FB8]  }
0x39: {  	_ = 	snop;
	(pc) =	sbr.ind lr, $3  }
0x3a: {  	_ = 	snop  }
0x3b: {  	_ = 	snop  }
0x3c: {  	p2 =	seq.s32 s10, $0x1;
	s10 =	sld [smem:$0x3FB7]  }
0x3d: {  	_ =	shalt  }
0x3e: {  	_ =	shalt  }
0x3f: {  	_ =	shalt  }
0x40: {  	_ =	shalt  }
0x41: {  	_ =	shalt  }
0x42: {  	_ =	shalt  }
0x43: {  	_ =	shalt  }
0x44: {  	_ =	shalt  }
0x45: {  	_ =	shalt  }
0x46: {  	_ =	shalt  }
0x47: {  	_ =	shalt  }
0x48: {  	_ =	shalt  }
0x49: {  	_ =	shalt  }
0x4a: {  	_ =	shalt  }
0x4b: {  	_ =	shalt  }
0x4c: {  	_ =	shalt  }
0x4d: {  	_ =	shalt  }
0x4e: {  	_ =	shalt  }
0x4f: {  	_ =	shalt  }
0x50: {  	_ =	shalt  }
0x51: {  	_ =	shalt  }
0x52: {  	_ =	shalt  }
0x53: {  	_ =	shalt  }
0x54: {  	_ =	shalt  }
0x55: {  	_ =	shalt  }
0x56: {  	_ =	shalt  }
0x57: {  	_ =	shalt  }
0x58: {  	_ =	shalt  }
0x59: {  	_ =	shalt  }
0x5a: {  	_ =	shalt  }
0x5b: {  	_ =	shalt  }
0x5c: {  	_ =	shalt  }
0x5d: {  	_ =	shalt  }
0x5e: {  	_ =	shalt  }
0x5f: {  	_ =	shalt  }
0x60: {  	_ =	shalt  }
0x61: {  	_ =	shalt  }
0x62: {  	_ =	shalt  }
0x63: {  	_ =	shalt  }
0x64: {  	_ =	shalt  }
0x65: {  	_ =	shalt  }
0x66: {  	_ =	shalt  }
0x67: {  	_ =	shalt  }
0x68: {  	_ =	shalt  }
0x69: {  	_ =	shalt  }
0x6a: {  	_ =	shalt  }
0x6b: {  	_ =	shalt  }
0x6c: {  	_ =	shalt  }
0x6d: {  	_ =	shalt  }
0x6e: {  	_ =	shalt  }
0x6f: {  	_ =	shalt  }
0x70: {  	_ =	shalt  }
0x71: {  	_ =	shalt  }
0x72: {  	_ =	shalt  }
0x73: {  	_ =	shalt  }
0x74: {  	_ =	shalt  }
0x75: {  	_ =	shalt  }
0x76: {  	_ =	shalt  }
0x77: {  	_ =	shalt  }
0x78: {  	_ =	shalt  }
0x79: {  	_ =	shalt  }
0x7a: {  	_ =	shalt  }
0x7b: {  	_ =	shalt  }
0x7c: {  	_ =	shalt  }
0x7d: {  	_ =	shalt  }
0x7e: {  	_ =	shalt  }
0x7f: {  	_ =	shalt  }
0x80: {  	_ =	shalt  }
0x81: {  	_ =	shalt  }
0x82: {  	_ =	shalt  }
0x83: {  	_ =	shalt  }
0x84: {  	_ =	shalt  }
0x85: {  	_ =	shalt  }
0x86: {  	_ =	shalt  }
0x87: {  	_ =	shalt  }
.Lfunc_end0:
.L_simem_size_0:
called_computation.1_lowered:
.L_overlay_start_0:
0x88: {  	s2 =	sld [smem:$0x3FD9]  }
0x89: {  	s3 =	sld [smem:$0x3FFE];
	_ =	sdelay $0x1  }
0x8a: {  	s1 =	srdreg.scid  }
0x8b: {  	s0 =	sand.u32 $0x1, s1  }
0x8c: {  	s16 =	sshll.u32 s0, $0xA;
	s2 =	sadd.s32 s3, s2  }
0x8d: {  	s2 =	sadd.s32 s2, s16  }
0x8e: {  	[smem:$0x3FC3] =	sst s2  }
0x8f: {  	_ = 	snop  }
0x90: {  	(tm) =	ssettm $0x1  }
0x91: {  	s17 =	sld [smem:$0x3FFB];
	_ =	sdelay $0x3  }
0x92: {  	_ =	strace s17  }
0x93: {  	s2 =	sld [smem:$0x3FFC];
	_ =	sdelay $0x3  }
0x94: {  	_ =	strace s2  }
0x95: {  	s2 =	sld [smem:$0x3FFD];
	_ =	sdelay $0x3  }
0x96: {  	_ =	strace s2  }
0x97: {  	_ =	strace $0x8FFFFFFF  }
0x98: {  	s18 =	sld [smem:$0x3FDB];
	_ =	sdelay $0x1  }
0x99: {  	s19 =	simm.s32 $_scs_section_size  }
0x9a: {  	s4 =	simm.s32 $_size__tile_overlayer_lowered;
	s5 =	simm.s32 $_tile_overlayer_lowered  }
0x9b: {  	s22 =	simm.s32 $0x1BFF;
	s21 =	sshll.u32 s5, $0x1;
	s2 =	sadd.s32 s19, s18  }
0x9c: {  	s6 =	simm.s32 $0x0;
	s20 =	sshll.u32 s4, $0x1;
	s4 =	sadd.s32 s21, s2  }
0x9d: {  	[timem:s6], [sflag:s22] =	dma.local [hbm:s4], s20  }
0x9e: {  	_ =	swait.ge [sflag:s22], s20  }
0x9f: {  	s3 =	ssub.s32 $0x0, s20;
	[sflag:s22] =	ssyncset.done $0x0  }
0xa0: {  	[sflag:s22] =	ssyncadd.s32 s3;
	_ =	sdelay $0x1  }
0xa1: {  	s23 =	simm.s32 $0x1B8B  }
0xa2: {  	_ =	swait.ge [sflag:s23], $0x1  }
0xa3: {  	[sflag:s23] =	ssyncset.done $0x0  }
0xa4: {  	s25 =	simm.s32 $0x1B8E;
	s24 =	sld [smem:$0x3FFE];
	[sflag:s23] =	ssyncadd.s32 $0xFFFFFFFF  }
0xa5: {  	s26 =	simm.s32 $execute0_lowered;
	[smem:$0x3FD2] =	sst s25  }
0xa6: {  	s4 =	sshll.u32 s26, $0x1;
	_ =	strace $0x80000049;
	[dreg:$0x1] =	wrdreg $0xFFFFFFFF  }
0xa7: {  	s28 =	simm.s32 $_size_execute0_lowered;
	s2 =	sadd.s32 s2, s4;
	[dreg:$0x0] =	wrdreg $0x0  }
0xa8: {  	s4 =	sshll.u32 s28, $0x1;
	[dreg:$0x2] =	wrdreg s2  }
0xa9: {  	[dreg:$0x3] =	wrdreg s4  }
0xaa: {  	[dreg:$0x4] =	wrdreg $0xC0  }
0xab: {  	_ =	task [dreg:s6], $0x5FFFF  }
0xac: {  	[dreg:$0x1] =	wrdreg $0xFFFFFFFF  }
0xad: {  	[dreg:$0x0] =	wrdreg $0x60  }
0xae: {  	[dreg:$0x2] =	wrdreg s24  }
0xaf: {  	[dreg:$0x3] =	wrdreg $0x9  }
0xb0: {  	_ =	task.clear_ibuf [dreg:s6], $0x4FFFF;
	_ =	strace $0x90000049  }
0xb1: {  	s29 =	simm.s32 $0x9;
	_ =	strace $0x8000004B  }
0xb2: {  	_ =	swait.ge [sflag:s29], $0x1  }
0xb3: {  	[sflag:s29] =	ssyncadd.s32 $0xFFFFFFFF  }
0xb4: {  	_ =	strace $0x9000004B  }
0xb5: {  	_ =	sfence  }
0xb6: {  	s30 =	sld [smem:$0x0];
	_ =	sdelay $0x2  }
0xb7: {  	s31 =	sshll.u32 s1, $0xD;
	s1 =	sshrl.u32 s1, $0x2  }
0xb8: {  	s3 =	sand.u32 $0x4000, s31;
	s1 =	sadd.s32 s1, s30  }
0xb9: {  	s0 =	sor.u32 s3, s0;
	s1 =	sshll.u32 s1, $0x11  }
0xba: {  	s0 =	sor.u32 s1, s0  }
0xbb: {  	s0 =	sadd.s32 $0x8F2B, s0  }
0xbc: {  	[sflag:s0] =	ssyncadd.remote.s32 $0x1  }
0xbd: {  	_ =	sfence.sel $0xFFFF  }
0xbe: {  	[dreg:$0x0] =	wrdreg $0xFFFFFFFF;
	(pc) =	sbr.abs _section_cstart, $3  }
0xbf: {  	[dreg:$0x1] =	wrdreg $0xFFFFFFFF  }
0xc0: {  	_ =	task.clear_ibuf [dreg:s6], $0x2FFFF;
	_ =	strace $0x9FFFFFFF  }
0xc1: {  	(tm) =	ssettm $0x7FFFFFFF  }
tec
execute0_lowered:
.L_overlay_start_1:
0x0: {  	(tag) =	ssettag $0x1  }
0x1: {  	s0 =	srdreg.scid;
	s5 =	stileid.u32  }
0x2: {  	s1 =	rddreg [dreg:$0x0];
	s2 =	simm.s32 $0x0;
	s14 =	simm.s32 $0x880  }
0x3: {  	s16 =	simm.s32 $0x1080;
	s17 =	simm.s32 $0x1880;
	s18 =	simm.s32 $0x2080  }
0x4: {  	s19 =	simm.s32 $0x2880;
	s9 =	simm.s32 $0x3080;
	[smem:$0x7FF] =	sst s2  }
0x5: {  	s20 =	simm.s32 $0x3880;
	_ =	strace $0x8000004A;
	[dreg:$0x3] =	wrdreg s14  }
0x6: {  	s21 =	simm.s32 $0x4080;
	s22 =	simm.s32 $0x4880;
	[dreg:$0x4] =	wrdreg s16  }
0x7: {  	s23 =	simm.s32 $0x5080;
	s24 =	simm.s32 $0x5880;
	[dreg:$0x5] =	wrdreg s17  }
0x8: {  	s25 =	simm.s32 $0x6080;
	s10 =	simm.s32 $0x80;
	[dreg:$0x6] =	wrdreg s18  }
0x9: {  	s26 =	simm.s32 $0x6880;
	s11 =	simm.s32 $0x7080;
	[dreg:$0x7] =	wrdreg s19  }
0xa: {  	s12 =	simm.s32 $0x7880;
	s28 =	simm.s32 $0xF080;
	[dreg:$0x8] =	wrdreg s9  }
0xb: {  	s29 =	simm.s32 $0xF880;
	s30 =	simm.s32 $0x1;
	[dreg:$0x9] =	wrdreg s20  }
0xc: {  	s31 =	simm.s32 $0x0;
	s0 =	sand.u32 $0x1, s0;
	[dreg:$0xa] =	wrdreg s21  }
0xd: {  	s3 =	sshll.u32 s5, $0x9;
	s5 =	sshll.u32 s5, $0x10;
	[dreg:$0xb] =	wrdreg s22  }
0xe: {  	s4 =	sshll.u32 s0, $0x8;
	s8 =	sadd.s32 s5, s1;
	[dreg:$0xc] =	wrdreg s23  }
0xf: {  	s15 =	ssub.s32 $0x2, s0;
	s5 =	sadd.s32 $0x164C00, s1;
	[dreg:$0xd] =	wrdreg s24  }
0x10: {  	s0 =	sshll.u32 s0, $0xF;
	s9 =	simm.s32 $0x2;
	[dreg:$0xe] =	wrdreg s25  }
0x11: {  	[dreg:$0xf] =	wrdreg s26;
	s14 =	simm.s32 $0x8880;
	s16 =	simm.s32 $0x9880  }
0x12: {  	s17 =	simm.s32 $0xA080;
	s18 =	simm.s32 $0xA880;
	s19 =	simm.s32 $0xB080  }
0x13: {  	s20 =	simm.s32 $0xB880;
	s21 =	simm.s32 $0xC080;
	s22 =	simm.s32 $0xC880  }
0x14: {  	s23 =	simm.s32 $0xD080;
	s24 =	simm.s32 $0xD880;
	s25 =	simm.s32 $0xE080  }
0x15: {  	s26 =	simm.s32 $0xE880;
	s3 =	sor.u32 s4, s3;
	s6 =	sshrl.u32 s15, $0x1  }
0x16: {  	s0 =	sadd.s32 s0, s8;
	s3 =	sshrl.u32 s3, $0x3;
	s7 =	ssub.s32 s15, s6  }
0x17: {  	s6 =	sadd.s32 $0x164D00, s1;
	s0 =	sadd.s32 $0x24A00, s0;
	s15 =	simm.s32 $0x9080  }
0x18: {  	v2 =	vlaneseq.u32;
	s13 =	sadd.s32 s3, s1;
	s7 =	smax.u32 s7, $0x1;
	[dreg:$0x11] =	wrdreg s0  }
0x19: {  	vm0 =	vmmov $0xffff;
	v1 =	vshrl.u32 v2, $0x3;
	s3 =	sadd.s32 $0x164A00, s1;
	s4 =	sadd.s32 $0x600, s13;
	[dreg:$0x10] =	wrdreg s7  }
0x1a: {  	v0 =	vand.u32 $0x7, v2;
	v2 =	vor.u32 $0x8, v2;
	v1 =	vmul.u32 $0x8, v1;
	s13 =	simm.s32 $0x8080;
	[dreg:$0x2] =	wrdreg s4;
	s4 =	sadd.s32 $0x164B00, s1  }
.LBB2_1:
0x1b: {  	s8 =	rddreg [dreg:$0x11];
	s0 =	simm.s32 $0x0  }
.LBB2_2:
0x1c: {  	s7 =	rddreg [dreg:$0x2]  }
0x1d: {  	s7 =	sadd.s32 s0, s7  }
0x1e: {  	[tilespmem:s2], [sflag:$0x2] =	stream.linear.gather [hbm4b:s7+s2], $0x40, $0x38;
	[tilespmem:$0x10080] =	vst v63  }
0x1f: {  	_ =	swait.ge [sflag:s9], $0x40  }
0x20: {  	[sflag:s9] =	ssyncset.done $0x0  }
0x21: {  	[sflag:s9] =	ssyncadd.s32 $0xFFFFFFC0  }
0x22: {  	v3 =	vld [tilespmem:$0x0];
	_ =	sdelay $0x4  }
0x23: {  	v4 =	vshll.u32 v3, $0x3  }
0x24: {  	v3 =	vand.u32 $0x7, v3;
	v4 =	vand.u32 $0xFFFFFFC0, v4  }
0x25: {  	v3 =	vor.u32 v3, v4  }
0x26: {  	v4 =	vperm.xlane v3, v0;
	_ =	sdelay $0x1  }
0x27: {  	v4 =	vadd.s32 v1, v4;
	_ =	sdelay $0x4  }
0x28: {  	[tilespmem:s10], [sflag:$0x1] =	stream.indirect_vreg.gather [hbm4b:s3+s2], $0x80, v4, vm0, $0xb8;
	[tilespmem:$0x10080] =	vst v63  }
0x29: {  	s7 =	rddreg [dreg:$0x3];
	v3 =	vperm.xlane v3, v2  }
0x2a: {  	[tilespmem:s7], [sflag:$0x1] =	stream.indirect_vreg.gather [hbm4b:s4+s2], $0x80, v4, vm0, $0xb8;
	[tilespmem:$0x10080] =	vst v63  }
0x2b: {  	s1 =	rddreg [dreg:$0x4];
	v3 =	vadd.s32 v1, v3  }
0x2c: {  	[tilespmem:s1], [sflag:$0x1] =	stream.indirect_vreg.gather [hbm4b:s5+s2], $0x80, v4, vm0, $0xb8;
	[tilespmem:$0x10080] =	vst v63  }
0x2d: {  	s7 =	rddreg [dreg:$0x5]  }
0x2e: {  	[tilespmem:s7], [sflag:$0x1] =	stream.indirect_vreg.gather [hbm4b:s6+s2], $0x80, v4, vm0, $0xb8;
	[tilespmem:$0x10080] =	vst v63  }
0x2f: {  	s1 =	rddreg [dreg:$0x6]  }
0x30: {  	[tilespmem:s1], [sflag:$0x1] =	stream.indirect_vreg.gather [hbm4b:s3+s2], $0x80, v3, vm0, $0xb8;
	[tilespmem:$0x10080] =	vst v63  }
0x31: {  	s7 =	rddreg [dreg:$0x7]  }
0x32: {  	[tilespmem:s7], [sflag:$0x1] =	stream.indirect_vreg.gather [hbm4b:s4+s2], $0x80, v3, vm0, $0xb8;
	[tilespmem:$0x10080] =	vst v63  }
0x33: {  	s1 =	rddreg [dreg:$0x8]  }
0x34: {  	[tilespmem:s1], [sflag:$0x1] =	stream.indirect_vreg.gather [hbm4b:s5+s2], $0x80, v3, vm0, $0xb8;
	[tilespmem:$0x10080] =	vst v63  }
0x35: {  	s7 =	rddreg [dreg:$0x9]  }
0x36: {  	[tilespmem:s7], [sflag:$0x1] =	stream.indirect_vreg.gather [hbm4b:s6+s2], $0x80, v3, vm0, $0xb8;
	[tilespmem:$0x10080] =	vst v63  }
0x37: {  	v3 =	vld [tilespmem:$0x10];
	_ =	sdelay $0x4  }
0x38: {  	v61 =	vshll.u32 v3, $0x3  }
0x39: {  	v3 =	vand.u32 $0x7, v3;
	v4 =	vand.u32 $0xFFFFFFC0, v61  }
0x3a: {  	v3 =	vor.u32 v3, v4  }
0x3b: {  	v4 =	vperm.xlane v3, v0;
	_ =	sdelay $0x1  }
0x3c: {  	v4 =	vadd.s32 v1, v4;
	_ =	sdelay $0x3  }
0x3d: {  	s1 =	rddreg [dreg:$0xa]  }
0x3e: {  	[tilespmem:s1], [sflag:$0x1] =	stream.indirect_vreg.gather [hbm4b:s3+s2], $0x80, v4, vm0, $0xb8;
	[tilespmem:$0x10080] =	vst v63  }
0x3f: {  	s7 =	rddreg [dreg:$0xb];
	v3 =	vperm.xlane v3, v2  }
0x40: {  	[tilespmem:s7], [sflag:$0x1] =	stream.indirect_vreg.gather [hbm4b:s4+s2], $0x80, v4, vm0, $0xb8;
	[tilespmem:$0x10080] =	vst v63  }
0x41: {  	v3 =	vadd.s32 v1, v3;
	s1 =	rddreg [dreg:$0xc]  }
0x42: {  	[tilespmem:s1], [sflag:$0x1] =	stream.indirect_vreg.gather [hbm4b:s5+s2], $0x80, v4, vm0, $0xb8;
	[tilespmem:$0x10080] =	vst v63  }
0x43: {  	s7 =	rddreg [dreg:$0xd]  }
0x44: {  	[tilespmem:s7], [sflag:$0x1] =	stream.indirect_vreg.gather [hbm4b:s6+s2], $0x80, v4, vm0, $0xb8;
	[tilespmem:$0x10080] =	vst v63  }
0x45: {  	s1 =	rddreg [dreg:$0xe]  }
0x46: {  	[tilespmem:s1], [sflag:$0x1] =	stream.indirect_vreg.gather [hbm4b:s3+s2], $0x80, v3, vm0, $0xb8;
	[tilespmem:$0x10080] =	vst v63  }
0x47: {  	s7 =	rddreg [dreg:$0xf]  }
0x48: {  	[tilespmem:s7], [sflag:$0x1] =	stream.indirect_vreg.gather [hbm4b:s4+s2], $0x80, v3, vm0, $0xb8;
	[tilespmem:$0x10080] =	vst v63  }
0x49: {  	_ = 	snop  }
0x4a: {  	[tilespmem:s11], [sflag:$0x1] =	stream.indirect_vreg.gather [hbm4b:s5+s2], $0x80, v3, vm0, $0xb8;
	[tilespmem:$0x10080] =	vst v63  }
0x4b: {  	_ = 	snop  }
0x4c: {  	[tilespmem:s12], [sflag:$0x1] =	stream.indirect_vreg.gather [hbm4b:s6+s2], $0x80, v3, vm0, $0xb8;
	[tilespmem:$0x10080] =	vst v63  }
0x4d: {  	v3 =	vld [tilespmem:$0x20];
	_ =	sdelay $0x4  }
0x4e: {  	v62 =	vshll.u32 v3, $0x3  }
0x4f: {  	v3 =	vand.u32 $0x7, v3;
	v4 =	vand.u32 $0xFFFFFFC0, v62  }
0x50: {  	v3 =	vor.u32 v3, v4  }
0x51: {  	v4 =	vperm.xlane v3, v0;
	_ =	sdelay $0x1  }
0x52: {  	v4 =	vadd.s32 v1, v4;
	_ =	sdelay $0x4  }
0x53: {  	[tilespmem:s13], [sflag:$0x1] =	stream.indirect_vreg.gather [hbm4b:s3+s2], $0x80, v4, vm0, $0xb8;
	[tilespmem:$0x10080] =	vst v63  }
0x54: {  	v3 =	vperm.xlane v3, v2  }
0x55: {  	[tilespmem:s14], [sflag:$0x1] =	stream.indirect_vreg.gather [hbm4b:s4+s2], $0x80, v4, vm0, $0xb8;
	[tilespmem:$0x10080] =	vst v63  }
0x56: {  	v3 =	vadd.s32 v1, v3  }
0x57: {  	[tilespmem:s15], [sflag:$0x1] =	stream.indirect_vreg.gather [hbm4b:s5+s2], $0x80, v4, vm0, $0xb8;
	[tilespmem:$0x10080] =	vst v63  }
0x58: {  	_ = 	snop  }
0x59: {  	[tilespmem:s16], [sflag:$0x1] =	stream.indirect_vreg.gather [hbm4b:s6+s2], $0x80, v4, vm0, $0xb8;
	[tilespmem:$0x10080] =	vst v63  }
0x5a: {  	_ = 	snop  }
0x5b: {  	[tilespmem:s17], [sflag:$0x1] =	stream.indirect_vreg.gather [hbm4b:s3+s2], $0x80, v3, vm0, $0xb8;
	[tilespmem:$0x10080] =	vst v63  }
0x5c: {  	_ = 	snop  }
0x5d: {  	[tilespmem:s18], [sflag:$0x1] =	stream.indirect_vreg.gather [hbm4b:s4+s2], $0x80, v3, vm0, $0xb8;
	[tilespmem:$0x10080] =	vst v63  }
0x5e: {  	_ = 	snop  }
0x5f: {  	[tilespmem:s19], [sflag:$0x1] =	stream.indirect_vreg.gather [hbm4b:s5+s2], $0x80, v3, vm0, $0xb8;
	[tilespmem:$0x10080] =	vst v63  }
0x60: {  	_ = 	snop  }
0x61: {  	[tilespmem:s20], [sflag:$0x1] =	stream.indirect_vreg.gather [hbm4b:s6+s2], $0x80, v3, vm0, $0xb8;
	[tilespmem:$0x10080] =	vst v63  }
0x62: {  	v3 =	vld [tilespmem:$0x30];
	_ =	sdelay $0x4  }
0x63: {  	v63 =	vshll.u32 v3, $0x3  }
0x64: {  	v3 =	vand.u32 $0x7, v3;
	v4 =	vand.u32 $0xFFFFFFC0, v63  }
0x65: {  	v3 =	vor.u32 v3, v4  }
0x66: {  	v4 =	vperm.xlane v3, v0;
	_ =	sdelay $0x1  }
0x67: {  	v4 =	vadd.s32 v1, v4;
	_ =	sdelay $0x4  }
0x68: {  	[tilespmem:s21], [sflag:$0x1] =	stream.indirect_vreg.gather [hbm4b:s3+s2], $0x80, v4, vm0, $0xb8;
	[tilespmem:$0x10080] =	vst v63  }
0x69: {  	v3 =	vperm.xlane v3, v2  }
0x6a: {  	[tilespmem:s22], [sflag:$0x1] =	stream.indirect_vreg.gather [hbm4b:s4+s2], $0x80, v4, vm0, $0xb8;
	[tilespmem:$0x10080] =	vst v63  }
0x6b: {  	v3 =	vadd.s32 v1, v3  }
0x6c: {  	[tilespmem:s23], [sflag:$0x1] =	stream.indirect_vreg.gather [hbm4b:s5+s2], $0x80, v4, vm0, $0xb8;
	[tilespmem:$0x10080] =	vst v63  }
0x6d: {  	_ = 	snop  }
0x6e: {  	[tilespmem:s24], [sflag:$0x1] =	stream.indirect_vreg.gather [hbm4b:s6+s2], $0x80, v4, vm0, $0xb8;
	[tilespmem:$0x10080] =	vst v63  }
0x6f: {  	_ = 	snop  }
0x70: {  	[tilespmem:s25], [sflag:$0x1] =	stream.indirect_vreg.gather [hbm4b:s3+s2], $0x80, v3, vm0, $0xb8;
	[tilespmem:$0x10080] =	vst v63  }
0x71: {  	_ = 	snop  }
0x72: {  	[tilespmem:s26], [sflag:$0x1] =	stream.indirect_vreg.gather [hbm4b:s4+s2], $0x80, v3, vm0, $0xb8;
	[tilespmem:$0x10080] =	vst v63  }
0x73: {  	_ = 	snop  }
0x74: {  	[tilespmem:s28], [sflag:$0x1] =	stream.indirect_vreg.gather [hbm4b:s5+s2], $0x80, v3, vm0, $0xb8;
	[tilespmem:$0x10080] =	vst v63  }
0x75: {  	_ = 	snop  }
0x76: {  	[tilespmem:s29], [sflag:$0x1] =	stream.indirect_vreg.gather [hbm4b:s6+s2], $0x80, v3, vm0, $0xb8;
	[tilespmem:$0x10080] =	vst v63  }
0x77: {  	_ =	swait.ge [sflag:s30], $0x10000  }
0x78: {  	p0 =	sne.s32 s0, $0x18;
	[sflag:s30] =	ssyncset.done $0x0  }
.Ltmp0:
0x79: {  	[sflag:s30] =	ssyncadd.s32 $0xFFFF0000;
	(pc) =	sbr.rel @p0 .LBB2_2-.Ltmp0, $4  }
0x7a: {  	[hbm4b:s8+s2] =	stream.linear.scatter [tilespmem:s10], [sflag:$0x2], $0x10000, $0x38;
	[tilespmem:$0x10080] =	vst v63  }
0x7b: {  	_ =	swait.ge [sflag:s9], $0x10000  }
0x7c: {  	[sflag:s9] =	ssyncset.done $0x0  }
0x7d: {  	s0 =	sadd.s32 $0x8, s0;
	s8 =	sadd.s32 $0x2000, s8;
	[sflag:s9] =	ssyncadd.s32 $0xFFFF0000  }
0x7e: {  	s31 =	sadd.s32 $0x1, s31;
	s0 =	rddreg [dreg:$0x10]  }
0x7f: {  	p0 =	sne.s32 s31, s0  }
.Ltmp1:
0x80: {  	_ = 	snop;
	(pc) =	sbr.rel @p0 .LBB2_1-.Ltmp1, $1  }
0x81: {  	_ =	sdelay $0x3  }
0x82: {  	_ =	sfence.sel $0x180000  }
0x83: {  	[bflag:$0x0] =	sbarrier.arrive $0xFFFF  }
0x84: {  	_ =	strace $0x9000004A  }
0x85: {  	s0 =	stileid.u32;
	[bflag:$0x2] =	sbarrier.arrive $0xFFFF  }
0x86: {  	p0 =	sne.s32 s0, $0x0;
	s0 =	rddreg [dreg:$0x1]  }
0x87: {  	s0 =	sadd.s32 @!p0 $0x100000, s0  }
0x88: {  	[sflag:s0] =	ssyncadd.tile.s32 @!p0 $0x1;
	_ =	shalt  }
.Lfunc_end2:
_tile_overlayer_lowered:
.L_overlay_start_2:
0x89: {  	(tag) =	ssettag $0x2  }
0x8a: {  	s0 =	rddreg [dreg:$0x0];
	s2 =	stileid.u32  }
0x8b: {  	s1 =	rddreg [dreg:$0x1];
	p0 =	sne.s32 s2, $0x0  }
0x8c: {  	s3 =	rddreg [dreg:$0x2];
	[bflag:$0x3] =	sbarrier.arrive $0xFFFF;
	s2 =	simm.s32 @!p0 $0x1C02  }
0x8d: {  	[timem:s3], [sflag:s2] =	dma.local @!p0 [hbm:s0], s1  }
0x8e: {  	s0 =	simm.s32 @!p0 $0x2  }
0x8f: {  	_ =	swait.ge @!p0 [sflag:s0], s1  }
0x90: {  	s1 =	ssub.s32 @!p0 $0x0, s1;
	[sflag:s0] =	ssyncset.done @!p0 $0x0  }
0x91: {  	[sflag:s0] =	ssyncadd.s32 @!p0 s1  }
0x92: {  	[bflag:$0x3] =	sbarrier.arrive $0xFFFF  }
0x93: {  	_ =	shalt  }

// kernel: kernel.7.cloned.1.call-start
scs
__scs_entry_jumppad:
0x0: {  	(pc) =	sbr.rel $0x88, $3  }
0x1: {  	(tag) =	ssettag $0x0;
	lr =	simm.s32 $0x1  }
0x2: {  	[smem:$0x3F9C] =	sst lr;
	_ =	strace $0xD0000000  }
0x3: {  	_ = 	snop  }
0x4: {  	_ = 	snop  }
0x5: {  	_ = 	snop  }
0x6: {  	_ = 	snop  }
0x7: {  	_ = 	snop  }
__scs_overlays_trampoline_lowered:
0x8: {  	[smem:$0x3FAB] =	sst s0  }
0x9: {  	[smem:$0x3FAC] =	sst s1  }
0xa: {  	[smem:$0x3FAD] =	sst s2  }
0xb: {  	[smem:$0x3FAE] =	sst s3  }
0xc: {  	[smem:$0x3FAF] =	sst s4  }
0xd: {  	[smem:$0x3FB0] =	sst s5  }
0xe: {  	[smem:$0x3FB1] =	sst s6  }
0xf: {  	[smem:$0x3FB2] =	sst s7  }
0x10: {  	[smem:$0x3FB3] =	sst s8  }
0x11: {  	[smem:$0x3FB4] =	sst s9;
	s0 =	simm.s32 @!p0 $0x0  }
0x12: {  	s1 =	sld [smem:$0x3F9A];
	s0 =	simm.s32 @p0 $0x1  }
0x13: {  	[smem:$0x3FB5] =	sst s0;
	s0 =	simm.s32 @!p1 $0x0  }
0x14: {  	s2 =	sld [smem:$0x3F99];
	s0 =	simm.s32 @p1 $0x1  }
0x15: {  	[smem:$0x3FB6] =	sst s0;
	s0 =	simm.s32 @!p2 $0x0  }
0x16: {  	s3 =	sld [smem:$0x3FDB];
	s0 =	simm.s32 @p2 $0x1  }
0x17: {  	s4 =	simm.s32 $0x1BF5;
	[smem:$0x3FB8] =	sst s0  }
0x18: {  	s0 =	sld [smem:$0x3F9B];
	_ =	swait.ge [sflag:s4], $0x0  }
0x19: {  	s7 =	sld [smem:$0x3F9C]  }
0x1a: {  	s8 =	sadd.s32 $0xFFFFE003, lr  }
0x1b: {  	s9 =	sadd.s32 $0xFFFFFEF7, lr;
	s5 =	simm.s32 $0xFFFFFFFF;
	p2 =	slt.u32 s8, $0xFFFFF086  }
0x1c: {  	p1 =	slt.u32 s9, $0xF7A;
	s5 =	simm.s32 @!p2 $0x0  }
0x1d: {  	s5 =	simm.s32 @p1 $0x1;
	p0 =	seq.s32 s7, s2  }
0x1e: {  	s7 =	smul.u32 @!p0 $0xF7A, s2;
	p2 =	seq.s32 @!p0 s5, $0x0  }
0x1f: {  	s9 =	smul.u32 $0xF7A, s1;
	s8 =	simm.s32 @!p0 $0x1BF5;
	p2 =	por !p2, p0  }
0x20: {  	[sflag:s8] =	ssyncset.s32 @!p0 $0xFFFFF086;
	s6 =	sadd.s32 @!p0 s3, s7;
	s7 =	simm.s32 @!p0 $0x108  }
0x21: {  	s3 =	sadd.s32 s3, s9;
	s6 =	sadd.s32 @!p0 $0x88, s6;
	s7 =	simm.s32 @p2 $0x1082  }
0x22: {  	[simem:s7], [sflag:s8] =	dma.local @!p0 [hbm:s6], $0xF7A  }
0x23: {  	s9 =	sor.u32 $0xD0000000, s2;
	s6 =	simm.s32 $0x108;
	_ =	swait.ge @!p0 [sflag:s8], $0x0  }
0x24: {  	s3 =	sadd.s32 $0x88, s3;
	s6 =	simm.s32 @!p1 $0x1082;
	[sflag:s4] =	ssyncset.s32 $0xFFFFF086  }
0x25: {  	[simem:s6], [sflag:s4] =	dma.local [hbm:s3], $0xF7A  }
0x26: {  	[smem:$0x3F9C] =	sst s1;
	(tag) =	ssettag s2;
	_ =	strace s9  }
0x27: {  	s1 =	sld [smem:$0x3FAC]  }
0x28: {  	s2 =	sld [smem:$0x3FAD]  }
0x29: {  	s4 =	sld [smem:$0x3FAF]  }
0x2a: {  	p0 =	seq.s32 s5, $0x0;
	s5 =	sld [smem:$0x3FB0]  }
0x2b: {  	s6 =	sld [smem:$0x3FB1]  }
0x2c: {  	s7 =	sld [smem:$0x3FB2]  }
0x2d: {  	s3 =	simm.s32 $0x108;
	s8 =	sld [smem:$0x3FB3]  }
0x2e: {  	s3 =	simm.s32 @!p0 $0x1082;
	s9 =	sld [smem:$0x3FB4]  }
0x2f: {  	lr =	sadd.s32 s0, s3;
	s0 =	sld [smem:$0x3FAB]  }
0x30: {  	s3 =	sld [smem:$0x3FAE]  }
0x31: {  	[smem:$0x3FB7] =	sst s10  }
0x32: {  	s10 =	sld [smem:$0x3FB5];
	_ =	sdelay $0x3  }
0x33: {  	p0 =	seq.s32 s10, $0x1;
	s10 =	sld [smem:$0x3FB7];
	_ =	sdelay $0x3  }
0x34: {  	[smem:$0x3FB7] =	sst s10  }
0x35: {  	s10 =	sld [smem:$0x3FB6];
	_ =	sdelay $0x3  }
0x36: {  	p1 =	seq.s32 s10, $0x1;
	s10 =	sld [smem:$0x3FB7];
	_ =	sdelay $0x3  }
0x37: {  	[smem:$0x3FB7] =	sst s10  }
0x38: {  	s10 =	sld [smem:$0x3FB8]  }
0x39: {  	_ = 	snop;
	(pc) =	sbr.ind lr, $3  }
0x3a: {  	_ = 	snop  }
0x3b: {  	_ = 	snop  }
0x3c: {  	p2 =	seq.s32 s10, $0x1;
	s10 =	sld [smem:$0x3FB7]  }
0x3d: {  	_ =	shalt  }
0x3e: {  	_ =	shalt  }
0x3f: {  	_ =	shalt  }
0x40: {  	_ =	shalt  }
0x41: {  	_ =	shalt  }
0x42: {  	_ =	shalt  }
0x43: {  	_ =	shalt  }
0x44: {  	_ =	shalt  }
0x45: {  	_ =	shalt  }
0x46: {  	_ =	shalt  }
0x47: {  	_ =	shalt  }
0x48: {  	_ =	shalt  }
0x49: {  	_ =	shalt  }
0x4a: {  	_ =	shalt  }
0x4b: {  	_ =	shalt  }
0x4c: {  	_ =	shalt  }
0x4d: {  	_ =	shalt  }
0x4e: {  	_ =	shalt  }
0x4f: {  	_ =	shalt  }
0x50: {  	_ =	shalt  }
0x51: {  	_ =	shalt  }
0x52: {  	_ =	shalt  }
0x53: {  	_ =	shalt  }
0x54: {  	_ =	shalt  }
0x55: {  	_ =	shalt  }
0x56: {  	_ =	shalt  }
0x57: {  	_ =	shalt  }
0x58: {  	_ =	shalt  }
0x59: {  	_ =	shalt  }
0x5a: {  	_ =	shalt  }
0x5b: {  	_ =	shalt  }
0x5c: {  	_ =	shalt  }
0x5d: {  	_ =	shalt  }
0x5e: {  	_ =	shalt  }
0x5f: {  	_ =	shalt  }
0x60: {  	_ =	shalt  }
0x61: {  	_ =	shalt  }
0x62: {  	_ =	shalt  }
0x63: {  	_ =	shalt  }
0x64: {  	_ =	shalt  }
0x65: {  	_ =	shalt  }
0x66: {  	_ =	shalt  }
0x67: {  	_ =	shalt  }
0x68: {  	_ =	shalt  }
0x69: {  	_ =	shalt  }
0x6a: {  	_ =	shalt  }
0x6b: {  	_ =	shalt  }
0x6c: {  	_ =	shalt  }
0x6d: {  	_ =	shalt  }
0x6e: {  	_ =	shalt  }
0x6f: {  	_ =	shalt  }
0x70: {  	_ =	shalt  }
0x71: {  	_ =	shalt  }
0x72: {  	_ =	shalt  }
0x73: {  	_ =	shalt  }
0x74: {  	_ =	shalt  }
0x75: {  	_ =	shalt  }
0x76: {  	_ =	shalt  }
0x77: {  	_ =	shalt  }
0x78: {  	_ =	shalt  }
0x79: {  	_ =	shalt  }
0x7a: {  	_ =	shalt  }
0x7b: {  	_ =	shalt  }
0x7c: {  	_ =	shalt  }
0x7d: {  	_ =	shalt  }
0x7e: {  	_ =	shalt  }
0x7f: {  	_ =	shalt  }
0x80: {  	_ =	shalt  }
0x81: {  	_ =	shalt  }
0x82: {  	_ =	shalt  }
0x83: {  	_ =	shalt  }
0x84: {  	_ =	shalt  }
0x85: {  	_ =	shalt  }
0x86: {  	_ =	shalt  }
0x87: {  	_ =	shalt  }
.Lfunc_end0:
.L_simem_size_0:
called_computation_lowered:
.L_overlay_start_0:
0x88: {  	s2 =	sld [smem:$0x3FD9]  }
0x89: {  	s3 =	sld [smem:$0x3FFE];
	_ =	sdelay $0x1  }
0x8a: {  	s1 =	srdreg.scid  }
0x8b: {  	s0 =	sand.u32 $0x1, s1  }
0x8c: {  	s17 =	sshll.u32 s0, $0xA;
	s2 =	sadd.s32 s3, s2  }
0x8d: {  	s2 =	sadd.s32 s2, s17  }
0x8e: {  	[smem:$0x3FC3] =	sst s2  }
0x8f: {  	_ = 	snop  }
0x90: {  	s2 =	sld [smem:$0x3FC9];
	(tm) =	ssettm $0x1  }
0x91: {  	s18 =	sld [smem:$0x3FFB];
	_ =	sdelay $0x3  }
0x92: {  	_ =	strace s18  }
0x93: {  	s3 =	sld [smem:$0x3FFC];
	_ =	sdelay $0x3  }
0x94: {  	_ =	strace s3  }
0x95: {  	s3 =	sld [smem:$0x3FFD];
	_ =	sdelay $0x3  }
0x96: {  	_ =	strace s3  }
0x97: {  	_ =	strace $0x8FFFFFFF  }
0x98: {  	s19 =	sld [smem:$0x3FDB];
	_ =	sdelay $0x1  }
0x99: {  	s4 =	simm.s32 $_scs_section_size  }
0x9a: {  	s5 =	simm.s32 $_size__tile_overlayer_lowered;
	s6 =	simm.s32 $_tile_overlayer_lowered  }
0x9b: {  	s22 =	simm.s32 $0x1BFF;
	s21 =	sshll.u32 s6, $0x1;
	s3 =	sadd.s32 s4, s19  }
0x9c: {  	s7 =	simm.s32 $0x0;
	s20 =	sshll.u32 s5, $0x1;
	s5 =	sadd.s32 s21, s3  }
0x9d: {  	[timem:s7], [sflag:s22] =	dma.local [hbm:s5], s20  }
0x9e: {  	_ =	swait.ge [sflag:s22], s20  }
0x9f: {  	s4 =	ssub.s32 $0x0, s20;
	[sflag:s22] =	ssyncset.done $0x0  }
0xa0: {  	[sflag:s22] =	ssyncadd.s32 s4;
	_ =	sdelay $0x1  }
0xa1: {  	s23 =	simm.s32 $0x1B8B  }
0xa2: {  	_ =	swait.ge [sflag:s23], $0x1  }
0xa3: {  	[sflag:s23] =	ssyncset.done $0x0  }
0xa4: {  	s25 =	simm.s32 $0x1B8E;
	s24 =	sld [smem:$0x3FFE];
	[sflag:s23] =	ssyncadd.s32 $0xFFFFFFFF  }
0xa5: {  	s26 =	simm.s32 $execute0_lowered;
	[smem:$0x3FD2] =	sst s25  }
0xa6: {  	s5 =	sshll.u32 s26, $0x1;
	_ =	strace $0x80000046;
	[dreg:$0x1] =	wrdreg $0xFFFFFFFF  }
0xa7: {  	s28 =	simm.s32 $_size_execute0_lowered;
	s3 =	sadd.s32 s3, s5;
	[dreg:$0x0] =	wrdreg $0x0  }
0xa8: {  	s5 =	sshll.u32 s28, $0x1;
	[dreg:$0x2] =	wrdreg s3  }
0xa9: {  	[dreg:$0x3] =	wrdreg s5  }
0xaa: {  	[dreg:$0x4] =	wrdreg $0xC0  }
0xab: {  	_ =	task [dreg:s7], $0x5FFFF  }
0xac: {  	[dreg:$0x1] =	wrdreg $0xFFFFFFFF  }
0xad: {  	[dreg:$0x0] =	wrdreg $0x60  }
0xae: {  	[dreg:$0x2] =	wrdreg s2  }
0xaf: {  	[dreg:$0x3] =	wrdreg s24  }
0xb0: {  	[dreg:$0x4] =	wrdreg $0x9  }
0xb1: {  	_ =	task.clear_ibuf [dreg:s7], $0x5FFFF;
	_ =	strace $0x90000046  }
0xb2: {  	s29 =	simm.s32 $0x9;
	_ =	strace $0x80000048  }
0xb3: {  	_ =	swait.ge [sflag:s29], $0x1  }
0xb4: {  	[sflag:s29] =	ssyncadd.s32 $0xFFFFFFFF  }
0xb5: {  	_ =	strace $0x90000048  }
0xb6: {  	_ =	sfence  }
0xb7: {  	s30 =	sld [smem:$0x0];
	_ =	sdelay $0x2  }
0xb8: {  	s31 =	sshll.u32 s1, $0xD;
	s1 =	sshrl.u32 s1, $0x2  }
0xb9: {  	s3 =	sand.u32 $0x4000, s31;
	s1 =	sadd.s32 s1, s30  }
0xba: {  	s0 =	sor.u32 s3, s0;
	s1 =	sshll.u32 s1, $0x11  }
0xbb: {  	s0 =	sor.u32 s1, s0  }
0xbc: {  	s0 =	sadd.s32 $0x8F2B, s0  }
0xbd: {  	[sflag:s0] =	ssyncadd.remote.s32 $0x1  }
0xbe: {  	_ =	sfence.sel $0xFFFF  }
0xbf: {  	[dreg:$0x0] =	wrdreg $0xFFFFFFFF;
	(pc) =	sbr.abs _section_cstart, $3  }
0xc0: {  	[dreg:$0x1] =	wrdreg $0xFFFFFFFF  }
0xc1: {  	_ =	task.clear_ibuf [dreg:s7], $0x2FFFF;
	_ =	strace $0x9FFFFFFF  }
0xc2: {  	(tm) =	ssettm $0x7FFFFFFF  }
0xc3: {  	_ =	shalt  }
tec
execute0_lowered:
.L_overlay_start_1:
0x0: {  	(tag) =	ssettag $0x1  }
0x1: {  	s1 =	srdreg.scid;
	s2 =	rddreg [dreg:$0x0]  }
0x2: {  	s0 =	stileid.u32;
	s6 =	rddreg [dreg:$0x1];
	s17 =	simm.s32 $0x880  }
0x3: {  	s18 =	simm.s32 $0x1080;
	[dreg:$0x3] =	wrdreg s2;
	s2 =	simm.s32 $0x0  }
0x4: {  	s19 =	simm.s32 $0x1880;
	s4 =	simm.s32 $0x2080;
	[smem:$0x7FF] =	sst s2  }
0x5: {  	s20 =	simm.s32 $0x2880;
	_ =	strace $0x80000047;
	[dreg:$0x5] =	wrdreg s17  }
0x6: {  	s21 =	simm.s32 $0x3080;
	s22 =	simm.s32 $0x3880;
	[dreg:$0x6] =	wrdreg s18  }
0x7: {  	s23 =	simm.s32 $0x4080;
	s9 =	simm.s32 $0x4880;
	[dreg:$0x7] =	wrdreg s19  }
0x8: {  	s24 =	simm.s32 $0x5080;
	s25 =	simm.s32 $0x5880;
	[dreg:$0x8] =	wrdreg s4  }
0x9: {  	s26 =	simm.s32 $0x6080;
	s30 =	simm.s32 $0x6880;
	[dreg:$0x9] =	wrdreg s20  }
0xa: {  	s31 =	simm.s32 $0x7080;
	s11 =	simm.s32 $0x7880;
	[dreg:$0xa] =	wrdreg s21  }
0xb: {  	s12 =	simm.s32 $0x8880;
	s13 =	simm.s32 $0x9080;
	[dreg:$0xb] =	wrdreg s22  }
0xc: {  	s14 =	simm.s32 $0x9880;
	s28 =	simm.s32 $0x1;
	[dreg:$0xc] =	wrdreg s23  }
0xd: {  	s29 =	simm.s32 $0x0;
	s8 =	sand.u32 $0x1, s1;
	[dreg:$0xd] =	wrdreg s9  }
0xe: {  	s15 =	sshll.u32 s0, $0x9;
	s10 =	sshll.u32 s0, $0x10;
	[dreg:$0xe] =	wrdreg s24  }
0xf: {  	s16 =	sshll.u32 s8, $0x8;
	s5 =	ssub.s32 $0x2, s8;
	[dreg:$0xf] =	wrdreg s25  }
0x10: {  	s8 =	sshll.u32 s8, $0xF;
	s3 =	sor.u32 s16, s15;
	[dreg:$0x10] =	wrdreg s26  }
0x11: {  	s7 =	sshrl.u32 s5, $0x1;
	s4 =	sadd.s32 $0x24B00, s6;
	[dreg:$0x11] =	wrdreg s30  }
0x12: {  	s8 =	sor.u32 s8, s10;
	[dreg:$0x12] =	wrdreg s31;
	s9 =	simm.s32 $0x2  }
0x13: {  	s10 =	simm.s32 $0x80;
	[dreg:$0x13] =	wrdreg s11;
	s11 =	simm.s32 $0x8080  }
0x14: {  	s15 =	simm.s32 $0xA080;
	s16 =	simm.s32 $0xA880;
	s17 =	simm.s32 $0xB080  }
0x15: {  	s18 =	simm.s32 $0xB880;
	s19 =	simm.s32 $0xC080;
	s20 =	simm.s32 $0xC880  }
0x16: {  	s21 =	simm.s32 $0xD080;
	s22 =	simm.s32 $0xD880;
	s23 =	simm.s32 $0xE080  }
0x17: {  	s24 =	simm.s32 $0xE880;
	s25 =	simm.s32 $0xF080;
	s3 =	sshrl.u32 s3, $0x3  }
0x18: {  	v2 =	vlaneseq.u32;
	s26 =	simm.s32 $0xF880;
	s7 =	ssub.s32 s5, s7;
	s3 =	sadd.s32 s3, s6  }
0x19: {  	vm0 =	vmmov $0xffff;
	v1 =	vshrl.u32 v2, $0x3;
	s5 =	sadd.s32 $0x24C00, s6;
	s7 =	smax.u32 s7, $0x1;
	s3 =	sadd.s32 $0x600, s3  }
0x1a: {  	v0 =	vand.u32 $0x7, v2;
	v2 =	vor.u32 $0x8, v2;
	v1 =	vmul.u32 $0x8, v1;
	[dreg:$0x4] =	wrdreg s3;
	s3 =	sadd.s32 $0x24A00, s6;
	s6 =	sadd.s32 $0x24D00, s6  }
.LBB2_1:
0x1b: {  	s30 =	smov.u32 s8;
	s31 =	simm.s32 $0x0  }
.LBB2_2:
0x1c: {  	s1 =	rddreg [dreg:$0x4]  }
0x1d: {  	s1 =	sadd.s32 s31, s1  }
0x1e: {  	[tilespmem:s2], [sflag:$0x2] =	stream.linear.gather [hbm4b:s1+s2], $0x40, $0x38;
	[tilespmem:$0x10080] =	vst v63  }
0x1f: {  	_ =	swait.ge [sflag:s9], $0x40  }
0x20: {  	s0 =	sand.u32 $0x7E000, s30;
	s1 =	rddreg [dreg:$0x3];
	[sflag:s9] =	ssyncset.done $0x0  }
0x21: {  	[sflag:s9] =	ssyncadd.s32 $0xFFFFFFC0;
	s0 =	sadd.s32 s1, s0  }
0x22: {  	[tilespmem:s10], [sflag:$0x2] =	stream.linear.gather [hbm4b:s0+s2], $0x10000, $0x38;
	[tilespmem:$0x10080] =	vst v63  }
0x23: {  	_ =	swait.ge [sflag:s9], $0x10000  }
0x24: {  	[sflag:s9] =	ssyncset.done $0x0  }
0x25: {  	[sflag:s9] =	ssyncadd.s32 $0xFFFF0000  }
0x26: {  	v3 =	vld [tilespmem:$0x0];
	_ =	sdelay $0x4  }
0x27: {  	v4 =	vshll.u32 v3, $0x3  }
0x28: {  	v3 =	vand.u32 $0x7, v3;
	v4 =	vand.u32 $0xFFFFFFC0, v4  }
0x29: {  	v3 =	vor.u32 v3, v4  }
0x2a: {  	v4 =	vperm.xlane v3, v0;
	_ =	sdelay $0x1  }
0x2b: {  	v4 =	vadd.s32 v1, v4;
	_ =	sdelay $0x4  }
0x2c: {  	[hbm4b:s3+s2] =	stream.indirect_vreg.scatter [tilespmem:s10], [sflag:$0x1], $0x80, v4, vm0, $0xb8;
	[tilespmem:$0x10080] =	vst v63  }
0x2d: {  	s0 =	rddreg [dreg:$0x5];
	v3 =	vperm.xlane v3, v2  }
0x2e: {  	[hbm4b:s4+s2] =	stream.indirect_vreg.scatter [tilespmem:s0], [sflag:$0x1], $0x80, v4, vm0, $0xb8;
	[tilespmem:$0x10080] =	vst v63  }
0x2f: {  	s1 =	rddreg [dreg:$0x6];
	v3 =	vadd.s32 v1, v3  }
0x30: {  	[hbm4b:s5+s2] =	stream.indirect_vreg.scatter [tilespmem:s1], [sflag:$0x1], $0x80, v4, vm0, $0xb8;
	[tilespmem:$0x10080] =	vst v63  }
0x31: {  	s0 =	rddreg [dreg:$0x7]  }
0x32: {  	[hbm4b:s6+s2] =	stream.indirect_vreg.scatter [tilespmem:s0], [sflag:$0x1], $0x80, v4, vm0, $0xb8;
	[tilespmem:$0x10080] =	vst v63  }
0x33: {  	s1 =	rddreg [dreg:$0x8]  }
0x34: {  	[hbm4b:s3+s2] =	stream.indirect_vreg.scatter [tilespmem:s1], [sflag:$0x1], $0x80, v3, vm0, $0xb8;
	[tilespmem:$0x10080] =	vst v63  }
0x35: {  	s0 =	rddreg [dreg:$0x9]  }
0x36: {  	[hbm4b:s4+s2] =	stream.indirect_vreg.scatter [tilespmem:s0], [sflag:$0x1], $0x80, v3, vm0, $0xb8;
	[tilespmem:$0x10080] =	vst v63  }
0x37: {  	s1 =	rddreg [dreg:$0xa]  }
0x38: {  	[hbm4b:s5+s2] =	stream.indirect_vreg.scatter [tilespmem:s1], [sflag:$0x1], $0x80, v3, vm0, $0xb8;
	[tilespmem:$0x10080] =	vst v63  }
0x39: {  	s0 =	rddreg [dreg:$0xb]  }
0x3a: {  	[hbm4b:s6+s2] =	stream.indirect_vreg.scatter [tilespmem:s0], [sflag:$0x1], $0x80, v3, vm0, $0xb8;
	[tilespmem:$0x10080] =	vst v63  }
0x3b: {  	v3 =	vld [tilespmem:$0x10];
	_ =	sdelay $0x4  }
0x3c: {  	v61 =	vshll.u32 v3, $0x3  }
0x3d: {  	v3 =	vand.u32 $0x7, v3;
	v4 =	vand.u32 $0xFFFFFFC0, v61  }
0x3e: {  	v3 =	vor.u32 v3, v4  }
0x3f: {  	v4 =	vperm.xlane v3, v0;
	_ =	sdelay $0x1  }
0x40: {  	v4 =	vadd.s32 v1, v4;
	_ =	sdelay $0x3  }
0x41: {  	s0 =	rddreg [dreg:$0xc]  }
0x42: {  	[hbm4b:s3+s2] =	stream.indirect_vreg.scatter [tilespmem:s0], [sflag:$0x1], $0x80, v4, vm0, $0xb8;
	[tilespmem:$0x10080] =	vst v63  }
0x43: {  	s1 =	rddreg [dreg:$0xd];
	v3 =	vperm.xlane v3, v2  }
0x44: {  	[hbm4b:s4+s2] =	stream.indirect_vreg.scatter [tilespmem:s1], [sflag:$0x1], $0x80, v4, vm0, $0xb8;
	[tilespmem:$0x10080] =	vst v63  }
0x45: {  	v3 =	vadd.s32 v1, v3;
	s0 =	rddreg [dreg:$0xe]  }
0x46: {  	[hbm4b:s5+s2] =	stream.indirect_vreg.scatter [tilespmem:s0], [sflag:$0x1], $0x80, v4, vm0, $0xb8;
	[tilespmem:$0x10080] =	vst v63  }
0x47: {  	s1 =	rddreg [dreg:$0xf]  }
0x48: {  	[hbm4b:s6+s2] =	stream.indirect_vreg.scatter [tilespmem:s1], [sflag:$0x1], $0x80, v4, vm0, $0xb8;
	[tilespmem:$0x10080] =	vst v63  }
0x49: {  	s0 =	rddreg [dreg:$0x10]  }
0x4a: {  	[hbm4b:s3+s2] =	stream.indirect_vreg.scatter [tilespmem:s0], [sflag:$0x1], $0x80, v3, vm0, $0xb8;
	[tilespmem:$0x10080] =	vst v63  }
0x4b: {  	s1 =	rddreg [dreg:$0x11]  }
0x4c: {  	[hbm4b:s4+s2] =	stream.indirect_vreg.scatter [tilespmem:s1], [sflag:$0x1], $0x80, v3, vm0, $0xb8;
	[tilespmem:$0x10080] =	vst v63  }
0x4d: {  	s0 =	rddreg [dreg:$0x12]  }
0x4e: {  	[hbm4b:s5+s2] =	stream.indirect_vreg.scatter [tilespmem:s0], [sflag:$0x1], $0x80, v3, vm0, $0xb8;
	[tilespmem:$0x10080] =	vst v63  }
0x4f: {  	s1 =	rddreg [dreg:$0x13]  }
0x50: {  	[hbm4b:s6+s2] =	stream.indirect_vreg.scatter [tilespmem:s1], [sflag:$0x1], $0x80, v3, vm0, $0xb8;
	[tilespmem:$0x10080] =	vst v63  }
0x51: {  	v3 =	vld [tilespmem:$0x20];
	_ =	sdelay $0x4  }
0x52: {  	v62 =	vshll.u32 v3, $0x3  }
0x53: {  	v3 =	vand.u32 $0x7, v3;
	v4 =	vand.u32 $0xFFFFFFC0, v62  }
0x54: {  	v3 =	vor.u32 v3, v4  }
0x55: {  	v4 =	vperm.xlane v3, v0;
	_ =	sdelay $0x1  }
0x56: {  	v4 =	vadd.s32 v1, v4;
	_ =	sdelay $0x4  }
0x57: {  	[hbm4b:s3+s2] =	stream.indirect_vreg.scatter [tilespmem:s11], [sflag:$0x1], $0x80, v4, vm0, $0xb8;
	[tilespmem:$0x10080] =	vst v63  }
0x58: {  	v3 =	vperm.xlane v3, v2  }
0x59: {  	[hbm4b:s4+s2] =	stream.indirect_vreg.scatter [tilespmem:s12], [sflag:$0x1], $0x80, v4, vm0, $0xb8;
	[tilespmem:$0x10080] =	vst v63  }
0x5a: {  	v3 =	vadd.s32 v1, v3  }
0x5b: {  	[hbm4b:s5+s2] =	stream.indirect_vreg.scatter [tilespmem:s13], [sflag:$0x1], $0x80, v4, vm0, $0xb8;
	[tilespmem:$0x10080] =	vst v63  }
0x5c: {  	_ = 	snop  }
0x5d: {  	[hbm4b:s6+s2] =	stream.indirect_vreg.scatter [tilespmem:s14], [sflag:$0x1], $0x80, v4, vm0, $0xb8;
	[tilespmem:$0x10080] =	vst v63  }
0x5e: {  	_ = 	snop  }
0x5f: {  	[hbm4b:s3+s2] =	stream.indirect_vreg.scatter [tilespmem:s15], [sflag:$0x1], $0x80, v3, vm0, $0xb8;
	[tilespmem:$0x10080] =	vst v63  }
0x60: {  	_ = 	snop  }
0x61: {  	[hbm4b:s4+s2] =	stream.indirect_vreg.scatter [tilespmem:s16], [sflag:$0x1], $0x80, v3, vm0, $0xb8;
	[tilespmem:$0x10080] =	vst v63  }
0x62: {  	_ = 	snop  }
0x63: {  	[hbm4b:s5+s2] =	stream.indirect_vreg.scatter [tilespmem:s17], [sflag:$0x1], $0x80, v3, vm0, $0xb8;
	[tilespmem:$0x10080] =	vst v63  }
0x64: {  	_ = 	snop  }
0x65: {  	[hbm4b:s6+s2] =	stream.indirect_vreg.scatter [tilespmem:s18], [sflag:$0x1], $0x80, v3, vm0, $0xb8;
	[tilespmem:$0x10080] =	vst v63  }
0x66: {  	v3 =	vld [tilespmem:$0x30];
	_ =	sdelay $0x4  }
0x67: {  	v63 =	vshll.u32 v3, $0x3  }
0x68: {  	v3 =	vand.u32 $0x7, v3;
	v4 =	vand.u32 $0xFFFFFFC0, v63  }
0x69: {  	v3 =	vor.u32 v3, v4  }
0x6a: {  	v4 =	vperm.xlane v3, v0;
	_ =	sdelay $0x1  }
0x6b: {  	v4 =	vadd.s32 v1, v4;
	_ =	sdelay $0x4  }
0x6c: {  	[hbm4b:s3+s2] =	stream.indirect_vreg.scatter [tilespmem:s19], [sflag:$0x1], $0x80, v4, vm0, $0xb8;
	[tilespmem:$0x10080] =	vst v63  }
0x6d: {  	v3 =	vperm.xlane v3, v2  }
0x6e: {  	[hbm4b:s4+s2] =	stream.indirect_vreg.scatter [tilespmem:s20], [sflag:$0x1], $0x80, v4, vm0, $0xb8;
	[tilespmem:$0x10080] =	vst v63  }
0x6f: {  	v3 =	vadd.s32 v1, v3  }
0x70: {  	[hbm4b:s5+s2] =	stream.indirect_vreg.scatter [tilespmem:s21], [sflag:$0x1], $0x80, v4, vm0, $0xb8;
	[tilespmem:$0x10080] =	vst v63  }
0x71: {  	_ = 	snop  }
0x72: {  	[hbm4b:s6+s2] =	stream.indirect_vreg.scatter [tilespmem:s22], [sflag:$0x1], $0x80, v4, vm0, $0xb8;
	[tilespmem:$0x10080] =	vst v63  }
0x73: {  	_ = 	snop  }
0x74: {  	[hbm4b:s3+s2] =	stream.indirect_vreg.scatter [tilespmem:s23], [sflag:$0x1], $0x80, v3, vm0, $0xb8;
	[tilespmem:$0x10080] =	vst v63  }
0x75: {  	_ = 	snop  }
0x76: {  	[hbm4b:s4+s2] =	stream.indirect_vreg.scatter [tilespmem:s24], [sflag:$0x1], $0x80, v3, vm0, $0xb8;
	[tilespmem:$0x10080] =	vst v63  }
0x77: {  	p0 =	sne.s32 s31, $0x18  }
0x78: {  	[hbm4b:s5+s2] =	stream.indirect_vreg.scatter [tilespmem:s25], [sflag:$0x1], $0x80, v3, vm0, $0xb8;
	[tilespmem:$0x10080] =	vst v63  }
.Ltmp0:
0x79: {  	_ = 	snop;
	(pc) =	sbr.rel @p0 .LBB2_2-.Ltmp0, $4  }
0x7a: {  	[hbm4b:s6+s2] =	stream.indirect_vreg.scatter [tilespmem:s26], [sflag:$0x1], $0x80, v3, vm0, $0xb8;
	[tilespmem:$0x10080] =	vst v63  }
0x7b: {  	_ =	swait.ge [sflag:s28], $0x10000  }
0x7c: {  	[sflag:s28] =	ssyncset.done $0x0  }
0x7d: {  	s30 =	sadd.s32 $0x2000, s30;
	s31 =	sadd.s32 $0x8, s31;
	[sflag:s28] =	ssyncadd.s32 $0xFFFF0000  }
0x7e: {  	s29 =	sadd.s32 $0x1, s29  }
0x7f: {  	p0 =	sne.s32 s29, s7  }
.Ltmp1:
0x80: {  	_ = 	snop;
	(pc) =	sbr.rel @p0 .LBB2_1-.Ltmp1, $1  }
0x81: {  	_ =	sdelay $0x3  }
0x82: {  	_ =	sfence.sel $0x180000  }
0x83: {  	[bflag:$0x0] =	sbarrier.arrive $0xFFFF  }
0x84: {  	_ =	strace $0x90000047  }
0x85: {  	s0 =	stileid.u32;
	[bflag:$0x2] =	sbarrier.arrive $0xFFFF  }
0x86: {  	p0 =	sne.s32 s0, $0x0;
	s0 =	rddreg [dreg:$0x2]  }
0x87: {  	s0 =	sadd.s32 @!p0 $0x100000, s0  }
0x88: {  	[sflag:s0] =	ssyncadd.tile.s32 @!p0 $0x1;
	_ =	shalt  }
.Lfunc_end2:
_tile_overlayer_lowered:
.L_overlay_start_2:
0x89: {  	(tag) =	ssettag $0x2  }
0x8a: {  	s0 =	rddreg [dreg:$0x0];
	s2 =	stileid.u32  }
0x8b: {  	s1 =	rddreg [dreg:$0x1];
	p0 =	sne.s32 s2, $0x0  }
0x8c: {  	s3 =	rddreg [dreg:$0x2];
	[bflag:$0x3] =	sbarrier.arrive $0xFFFF;
	s2 =	simm.s32 @!p0 $0x1C02  }
0x8d: {  	[timem:s3], [sflag:s2] =	dma.local @!p0 [hbm:s0], s1  }
0x8e: {  	s0 =	simm.s32 @!p0 $0x2  }
0x8f: {  	_ =	swait.ge @!p0 [sflag:s0], s1  }
0x90: {  	s1 =	ssub.s32 @!p0 $0x0, s1;
	[sflag:s0] =	ssyncset.done @!p0 $0x0  }
0x91: {  	[sflag:s0] =	ssyncadd.s32 @!p0 s1  }
0x92: {  	[bflag:$0x3] =	sbarrier.arrive $0xFFFF  }
0x93: {  	_ =	shalt  }

</sc_bundles>
